<compile_context>
chip_gen: v7x
topology: tpu7x:2x2x1
jax: 0.10.2.dev20260603
libtpu: 0.0.44.dev20260713+nightly
codegen_flags: <defaults>
</compile_context>

<pallas_src>
import functools

import jax
import jax.numpy as jnp
from jax import lax
from jax.experimental import pallas as pl
from jax.experimental.pallas import tpu as pltpu
from jax.experimental.pallas import tpu_sc as plsc

RPAD = 56
AGRP = 8
NBUF = 2
NC = 2
NS = 16
NW = NC * NS


@functools.lru_cache(maxsize=None)
def _build_gather(A, R, V, d):
    a_per_w = A // NW
    ngrp = a_per_w // AGRP
    nloop = ngrp // NBUF
    assert a_per_w * NW == A and ngrp * AGRP == a_per_w and nloop * NBUF == ngrp
    assert R <= RPAD and RPAD % 8 == 0 and RPAD <= 128
    mesh = plsc.VectorSubcoreMesh(core_axis_name="c", subcore_axis_name="s")

    @functools.partial(
        pl.kernel,
        mesh=mesh,
        out_type=jax.ShapeDtypeStruct((A, R, d), jnp.float32),
        scratch_types=[
            pltpu.VMEM((a_per_w * RPAD,), jnp.int32),
            pltpu.VMEM((NBUF, AGRP, RPAD, d), jnp.float32),
        ] + [pltpu.SemaphoreType.DMA] * (2 * NBUF),
    )
    def k(table_hbm, idx_hbm, out_hbm, idx_v, rows_v, *sems):
        sems_g, sems_o = sems[:NBUF], sems[NBUF:]
        wid = lax.axis_index("s") * NC + lax.axis_index("c")
        abase = wid * a_per_w
        pltpu.sync_copy(idx_hbm.at[pl.ds(abase * RPAD, a_per_w * RPAD)], idx_v)

        def gather_desc(g, j, b):
            return pltpu.make_async_copy(
                table_hbm.at[idx_v.at[pl.ds((g * AGRP + j) * RPAD, R)]],
                rows_v.at[b, j, pl.ds(0, R)], sems_g[b])

        def out_desc(g, b):
            return pltpu.make_async_copy(
                rows_v.at[b, :, pl.ds(0, R)],
                out_hbm.at[pl.ds(abase + g * AGRP, AGRP)], sems_o[b])

        def gathers(g, b):
            for j in range(AGRP):
                gather_desc(g, j, b).start()

        def drain(g, b):
            for j in range(AGRP):
                gather_desc(g, j, b).wait()
            out_desc(g, b).start()

        for b in range(NBUF):
            gathers(b, b)
        for g in range(NBUF - 1):
            drain(g, g)

        def loop(i, carry):
            for b in range(NBUF):
                g = i * NBUF + b
                out_desc(g - NBUF, b).wait()
                gathers(g, b)
                drain(g - 1, (b - 1) % NBUF)
            return carry

        lax.fori_loop(1, nloop, loop, 0)

        drain(ngrp - 1, (ngrp - 1) % NBUF)
        for g in range(ngrp - NBUF, ngrp):
            out_desc(g, g % NBUF).wait()

    return k


def kernel(input_tensor, indices):
    d = input_tensor.shape[-1]
    A, R = indices.shape
    idx = jnp.pad(indices.astype(jnp.int32), ((0, 0), (0, RPAD - R)),
                  mode="edge")
    return _build_gather(A, R, input_tensor.shape[0], d)(
        input_tensor, idx.reshape(-1))

# --- scband reference (transcript-rebuilt; emitter-appended) ---
"""Pipeline reference for scband-onnx-gather-790273983137 (READ-ONLY COPY).

The authoritative reference and input builder live on the scoring server;
editing this copy changes nothing except your own understanding.
"""

import jax, jax.numpy as jnp
import numpy as np


def setup_inputs(seed: int = 0) -> dict:
    key = jax.random.key(seed)
    k1, k2 = jax.random.split(key)
    input_tensor = jax.random.normal(k1, (100000, 128), dtype=jnp.float32)
    indices = jax.random.randint(k2, (4096, 50), 0, 100000, dtype=jnp.int64)
    return {"input_tensor": input_tensor, "indices": indices}


def reference(input_tensor, indices):
    # OnnxGather with axis=0: output = input_tensor[indices]
    # equivalent to jnp.take(input_tensor, indices, axis=0)
    output = jnp.take(input_tensor, indices, axis=0)
    return output

if __name__ == "__main__":
    import jax
    _d = setup_inputs()
    print(jax.jit(kernel)(*tuple(_d.values())))

</pallas_src>

<mosaic_0001>
#map = affine_map<(d0, d1) -> (0, 0)>
#map1 = affine_map<(d0, d1) -> (0)>
#map2 = affine_map<(d0, d1) -> (0, 0, 0)>
module attributes {stable_mosaic.version = 14 : i64} {
  func.func @k(%arg0: i32, %arg1: i32, %arg2: memref<100000x128xf32, #tpu.memory_space<hbm>>, %arg3: memref<229376xi32, #tpu.memory_space<hbm>>, %arg4: memref<4096x50x128xf32, #tpu.memory_space<hbm>>, %arg5: memref<7168xi32, #tpu.memory_space<vmem>>, %arg6: memref<2x8x56x128xf32, #tpu.memory_space<vmem>>, %arg7: memref<!tpu.dma_semaphore, #tpu.memory_space<semaphore_mem>>, %arg8: memref<!tpu.dma_semaphore, #tpu.memory_space<semaphore_mem>>, %arg9: memref<!tpu.dma_semaphore, #tpu.memory_space<semaphore_mem>>, %arg10: memref<!tpu.dma_semaphore, #tpu.memory_space<semaphore_mem>>) attributes {dimension_semantics = [#tpu.dimension_semantics<core_parallel>, #tpu.dimension_semantics<subcore_parallel>], iteration_bounds = array<i64: 2, 16>, scalar_prefetch = 0 : i64, scratch_operands = 6 : i64, tpu.core_type = #tpu.core_type<sc_vector_subcore>, window_params = [{transform_indices = #map}, {transform_indices = #map1}, {transform_indices = #map2}]} {
    %mul3A = arith.constant 2 : i32
    %mul3A_0 = arith.muli %arg1, %mul3A : i32
    %add3A = arith.addi %mul3A_0, %arg0 : i32
    %mul3A_1 = arith.constant 128 : i32
    %mul3A_2 = arith.muli %add3A, %mul3A_1 : i32
    %mul3A_3 = arith.constant 56 : i32
    %mul3A_4 = arith.muli %mul3A_2, %mul3A_3 : i32
    "tpu.region"() ({
      %run_scoped3A = tpu.sem_alloc : memref<!tpu.dma_semaphore, #tpu.memory_space<semaphore_mem>>
      %dma_start3A_436 = tpu.memref_slice %arg3[%mul3A_4] : memref<229376xi32, #tpu.memory_space<hbm>> -> memref<7168xi32, #tpu.memory_space<hbm>>
      %dma_start3A_437 = tpu.memref_slice %arg3[%mul3A_4] : memref<229376xi32, #tpu.memory_space<hbm>> -> memref<7168xi32, #tpu.memory_space<hbm>>
      tpu.enqueue_dma source(%dma_start3A_437 : memref<7168xi32, #tpu.memory_space<hbm>>) target(%arg5 : memref<7168xi32, #tpu.memory_space<vmem>>) target_semaphore(%run_scoped3A : memref<!tpu.dma_semaphore, #tpu.memory_space<semaphore_mem>>)
      %dma_wait3A_438 = tpu.memref_slice %arg3[%mul3A_4] : memref<229376xi32, #tpu.memory_space<hbm>> -> memref<7168xi32, #tpu.memory_space<hbm>>
      %dma_wait3A_439 = tpu.memref_slice %arg3[%mul3A_4] : memref<229376xi32, #tpu.memory_space<hbm>> -> memref<7168xi32, #tpu.memory_space<hbm>>
      tpu.wait_dma2 semaphore(%run_scoped3A : memref<!tpu.dma_semaphore, #tpu.memory_space<semaphore_mem>>) src(%dma_wait3A_439 : memref<7168xi32, #tpu.memory_space<hbm>>) dst(%arg5 : memref<7168xi32, #tpu.memory_space<vmem>>)
      tpu.yield
    }) : () -> ()
    %dma_start3A = arith.constant 0 : i32
    %dma_start3A_5 = arith.constant 0 : i32
    %dma_start3A_6 = arith.constant 0 : i32
    %dma_start3A_7 = arith.constant 0 : i32
    %dma_start3A_8 = tpu.memref_slice %arg6[%dma_start3A, %dma_start3A_5, %dma_start3A_6, %dma_start3A_7] : memref<2x8x56x128xf32, #tpu.memory_space<vmem>> -> memref<1x1x50x128xf32, #tpu.memory_space<vmem>>
    %dma_start3A_9 = tpu.memref_squeeze %dma_start3A_8 : memref<1x1x50x128xf32, #tpu.memory_space<vmem>> -> memref<50x128xf32, #tpu.memory_space<vmem>>
    %dma_start3A_10 = arith.constant 0 : i32
    %dma_start3A_11 = tpu.memref_slice %arg5[%dma_start3A_10] : memref<7168xi32, #tpu.memory_space<vmem>> -> memref<50xi32, #tpu.memory_space<vmem>>
    %dma_start3A_12 = arith.constant 0 : i32
    %dma_start3A_13 = arith.constant 0 : i32
    %dma_start3A_14 = tpu.memref_slice %arg2[%dma_start3A_12, %dma_start3A_13] : memref<100000x128xf32, #tpu.memory_space<hbm>> -> memref<100000x128xf32, #tpu.memory_space<hbm>>
    tpu.enqueue_indirect_dma source(%dma_start3A_14 : memref<100000x128xf32, #tpu.memory_space<hbm>>) target(%dma_start3A_9 : memref<50x128xf32, #tpu.memory_space<vmem>>) offsets(%dma_start3A_11 : memref<50xi32, #tpu.memory_space<vmem>>) semaphore(%arg7 : memref<!tpu.dma_semaphore, #tpu.memory_space<semaphore_mem>>)
    %dma_start3A_15 = arith.constant 0 : i32
    %dma_start3A_16 = arith.constant 1 : i32
    %dma_start3A_17 = arith.constant 0 : i32
    %dma_start3A_18 = arith.constant 0 : i32
    %dma_start3A_19 = tpu.memref_slice %arg6[%dma_start3A_15, %dma_start3A_16, %dma_start3A_17, %dma_start3A_18] : memref<2x8x56x128xf32, #tpu.memory_space<vmem>> -> memref<1x1x50x128xf32, #tpu.memory_space<vmem>>
    %dma_start3A_20 = tpu.memref_squeeze %dma_start3A_19 : memref<1x1x50x128xf32, #tpu.memory_space<vmem>> -> memref<50x128xf32, #tpu.memory_space<vmem>>
    %dma_start3A_21 = arith.constant 56 : i32
    %dma_start3A_22 = tpu.memref_slice %arg5[%dma_start3A_21] : memref<7168xi32, #tpu.memory_space<vmem>> -> memref<50xi32, #tpu.memory_space<vmem>>
    %dma_start3A_23 = arith.constant 0 : i32
    %dma_start3A_24 = arith.constant 0 : i32
    %dma_start3A_25 = tpu.memref_slice %arg2[%dma_start3A_23, %dma_start3A_24] : memref<100000x128xf32, #tpu.memory_space<hbm>> -> memref<100000x128xf32, #tpu.memory_space<hbm>>
    tpu.enqueue_indirect_dma source(%dma_start3A_25 : memref<100000x128xf32, #tpu.memory_space<hbm>>) target(%dma_start3A_20 : memref<50x128xf32, #tpu.memory_space<vmem>>) offsets(%dma_start3A_22 : memref<50xi32, #tpu.memory_space<vmem>>) semaphore(%arg7 : memref<!tpu.dma_semaphore, #tpu.memory_space<semaphore_mem>>)
    %dma_start3A_26 = arith.constant 0 : i32
    %dma_start3A_27 = arith.constant 2 : i32
    %dma_start3A_28 = arith.constant 0 : i32
    %dma_start3A_29 = arith.constant 0 : i32
    %dma_start3A_30 = tpu.memref_slice %arg6[%dma_start3A_26, %dma_start3A_27, %dma_start3A_28, %dma_start3A_29] : memref<2x8x56x128xf32, #tpu.memory_space<vmem>> -> memref<1x1x50x128xf32, #tpu.memory_space<vmem>>
    %dma_start3A_31 = tpu.memref_squeeze %dma_start3A_30 : memref<1x1x50x128xf32, #tpu.memory_space<vmem>> -> memref<50x128xf32, #tpu.memory_space<vmem>>
    %dma_start3A_32 = arith.constant 112 : i32
    %dma_start3A_33 = tpu.memref_slice %arg5[%dma_start3A_32] : memref<7168xi32, #tpu.memory_space<vmem>> -> memref<50xi32, #tpu.memory_space<vmem>>
    %dma_start3A_34 = arith.constant 0 : i32
    %dma_start3A_35 = arith.constant 0 : i32
    %dma_start3A_36 = tpu.memref_slice %arg2[%dma_start3A_34, %dma_start3A_35] : memref<100000x128xf32, #tpu.memory_space<hbm>> -> memref<100000x128xf32, #tpu.memory_space<hbm>>
    tpu.enqueue_indirect_dma source(%dma_start3A_36 : memref<100000x128xf32, #tpu.memory_space<hbm>>) target(%dma_start3A_31 : memref<50x128xf32, #tpu.memory_space<vmem>>) offsets(%dma_start3A_33 : memref<50xi32, #tpu.memory_space<vmem>>) semaphore(%arg7 : memref<!tpu.dma_semaphore, #tpu.memory_space<semaphore_mem>>)
    %dma_start3A_37 = arith.constant 0 : i32
    %dma_start3A_38 = arith.constant 3 : i32
    %dma_start3A_39 = arith.constant 0 : i32
    %dma_start3A_40 = arith.constant 0 : i32
    %dma_start3A_41 = tpu.memref_slice %arg6[%dma_start3A_37, %dma_start3A_38, %dma_start3A_39, %dma_start3A_40] : memref<2x8x56x128xf32, #tpu.memory_space<vmem>> -> memref<1x1x50x128xf32, #tpu.memory_space<vmem>>
    %dma_start3A_42 = tpu.memref_squeeze %dma_start3A_41 : memref<1x1x50x128xf32, #tpu.memory_space<vmem>> -> memref<50x128xf32, #tpu.memory_space<vmem>>
    %dma_start3A_43 = arith.constant 168 : i32
    %dma_start3A_44 = tpu.memref_slice %arg5[%dma_start3A_43] : memref<7168xi32, #tpu.memory_space<vmem>> -> memref<50xi32, #tpu.memory_space<vmem>>
    %dma_start3A_45 = arith.constant 0 : i32
    %dma_start3A_46 = arith.constant 0 : i32
    %dma_start3A_47 = tpu.memref_slice %arg2[%dma_start3A_45, %dma_start3A_46] : memref<100000x128xf32, #tpu.memory_space<hbm>> -> memref<100000x128xf32, #tpu.memory_space<hbm>>
    tpu.enqueue_indirect_dma source(%dma_start3A_47 : memref<100000x128xf32, #tpu.memory_space<hbm>>) target(%dma_start3A_42 : memref<50x128xf32, #tpu.memory_space<vmem>>) offsets(%dma_start3A_44 : memref<50xi32, #tpu.memory_space<vmem>>) semaphore(%arg7 : memref<!tpu.dma_semaphore, #tpu.memory_space<semaphore_mem>>)
    %dma_start3A_48 = arith.constant 0 : i32
    %dma_start3A_49 = arith.constant 4 : i32
    %dma_start3A_50 = arith.constant 0 : i32
    %dma_start3A_51 = arith.constant 0 : i32
    %dma_start3A_52 = tpu.memref_slice %arg6[%dma_start3A_48, %dma_start3A_49, %dma_start3A_50, %dma_start3A_51] : memref<2x8x56x128xf32, #tpu.memory_space<vmem>> -> memref<1x1x50x128xf32, #tpu.memory_space<vmem>>
    %dma_start3A_53 = tpu.memref_squeeze %dma_start3A_52 : memref<1x1x50x128xf32, #tpu.memory_space<vmem>> -> memref<50x128xf32, #tpu.memory_space<vmem>>
    %dma_start3A_54 = arith.constant 224 : i32
    %dma_start3A_55 = tpu.memref_slice %arg5[%dma_start3A_54] : memref<7168xi32, #tpu.memory_space<vmem>> -> memref<50xi32, #tpu.memory_space<vmem>>
    %dma_start3A_56 = arith.constant 0 : i32
    %dma_start3A_57 = arith.constant 0 : i32
    %dma_start3A_58 = tpu.memref_slice %arg2[%dma_start3A_56, %dma_start3A_57] : memref<100000x128xf32, #tpu.memory_space<hbm>> -> memref<100000x128xf32, #tpu.memory_space<hbm>>
    tpu.enqueue_indirect_dma source(%dma_start3A_58 : memref<100000x128xf32, #tpu.memory_space<hbm>>) target(%dma_start3A_53 : memref<50x128xf32, #tpu.memory_space<vmem>>) offsets(%dma_start3A_55 : memref<50xi32, #tpu.memory_space<vmem>>) semaphore(%arg7 : memref<!tpu.dma_semaphore, #tpu.memory_space<semaphore_mem>>)
    %dma_start3A_59 = arith.constant 0 : i32
    %dma_start3A_60 = arith.constant 5 : i32
    %dma_start3A_61 = arith.constant 0 : i32
    %dma_start3A_62 = arith.constant 0 : i32
    %dma_start3A_63 = tpu.memref_slice %arg6[%dma_start3A_59, %dma_start3A_60, %dma_start3A_61, %dma_start3A_62] : memref<2x8x56x128xf32, #tpu.memory_space<vmem>> -> memref<1x1x50x128xf32, #tpu.memory_space<vmem>>
    %dma_start3A_64 = tpu.memref_squeeze %dma_start3A_63 : memref<1x1x50x128xf32, #tpu.memory_space<vmem>> -> memref<50x128xf32, #tpu.memory_space<vmem>>
    %dma_start3A_65 = arith.constant 280 : i32
    %dma_start3A_66 = tpu.memref_slice %arg5[%dma_start3A_65] : memref<7168xi32, #tpu.memory_space<vmem>> -> memref<50xi32, #tpu.memory_space<vmem>>
    %dma_start3A_67 = arith.constant 0 : i32
    %dma_start3A_68 = arith.constant 0 : i32
    %dma_start3A_69 = tpu.memref_slice %arg2[%dma_start3A_67, %dma_start3A_68] : memref<100000x128xf32, #tpu.memory_space<hbm>> -> memref<100000x128xf32, #tpu.memory_space<hbm>>
    tpu.enqueue_indirect_dma source(%dma_start3A_69 : memref<100000x128xf32, #tpu.memory_space<hbm>>) target(%dma_start3A_64 : memref<50x128xf32, #tpu.memory_space<vmem>>) offsets(%dma_start3A_66 : memref<50xi32, #tpu.memory_space<vmem>>) semaphore(%arg7 : memref<!tpu.dma_semaphore, #tpu.memory_space<semaphore_mem>>)
    %dma_start3A_70 = arith.constant 0 : i32
    %dma_start3A_71 = arith.constant 6 : i32
    %dma_start3A_72 = arith.constant 0 : i32
    %dma_start3A_73 = arith.constant 0 : i32
    %dma_start3A_74 = tpu.memref_slice %arg6[%dma_start3A_70, %dma_start3A_71, %dma_start3A_72, %dma_start3A_73] : memref<2x8x56x128xf32, #tpu.memory_space<vmem>> -> memref<1x1x50x128xf32, #tpu.memory_space<vmem>>
    %dma_start3A_75 = tpu.memref_squeeze %dma_start3A_74 : memref<1x1x50x128xf32, #tpu.memory_space<vmem>> -> memref<50x128xf32, #tpu.memory_space<vmem>>
    %dma_start3A_76 = arith.constant 336 : i32
    %dma_start3A_77 = tpu.memref_slice %arg5[%dma_start3A_76] : memref<7168xi32, #tpu.memory_space<vmem>> -> memref<50xi32, #tpu.memory_space<vmem>>
    %dma_start3A_78 = arith.constant 0 : i32
    %dma_start3A_79 = arith.constant 0 : i32
    %dma_start3A_80 = tpu.memref_slice %arg2[%dma_start3A_78, %dma_start3A_79] : memref<100000x128xf32, #tpu.memory_space<hbm>> -> memref<100000x128xf32, #tpu.memory_space<hbm>>
    tpu.enqueue_indirect_dma source(%dma_start3A_80 : memref<100000x128xf32, #tpu.memory_space<hbm>>) target(%dma_start3A_75 : memref<50x128xf32, #tpu.memory_space<vmem>>) offsets(%dma_start3A_77 : memref<50xi32, #tpu.memory_space<vmem>>) semaphore(%arg7 : memref<!tpu.dma_semaphore, #tpu.memory_space<semaphore_mem>>)
    %dma_start3A_81 = arith.constant 0 : i32
    %dma_start3A_82 = arith.constant 7 : i32
    %dma_start3A_83 = arith.constant 0 : i32
    %dma_start3A_84 = arith.constant 0 : i32
    %dma_start3A_85 = tpu.memref_slice %arg6[%dma_start3A_81, %dma_start3A_82, %dma_start3A_83, %dma_start3A_84] : memref<2x8x56x128xf32, #tpu.memory_space<vmem>> -> memref<1x1x50x128xf32, #tpu.memory_space<vmem>>
    %dma_start3A_86 = tpu.memref_squeeze %dma_start3A_85 : memref<1x1x50x128xf32, #tpu.memory_space<vmem>> -> memref<50x128xf32, #tpu.memory_space<vmem>>
    %dma_start3A_87 = arith.constant 392 : i32
    %dma_start3A_88 = tpu.memref_slice %arg5[%dma_start3A_87] : memref<7168xi32, #tpu.memory_space<vmem>> -> memref<50xi32, #tpu.memory_space<vmem>>
    %dma_start3A_89 = arith.constant 0 : i32
    %dma_start3A_90 = arith.constant 0 : i32
    %dma_start3A_91 = tpu.memref_slice %arg2[%dma_start3A_89, %dma_start3A_90] : memref<100000x128xf32, #tpu.memory_space<hbm>> -> memref<100000x128xf32, #tpu.memory_space<hbm>>
    tpu.enqueue_indirect_dma source(%dma_start3A_91 : memref<100000x128xf32, #tpu.memory_space<hbm>>) target(%dma_start3A_86 : memref<50x128xf32, #tpu.memory_space<vmem>>) offsets(%dma_start3A_88 : memref<50xi32, #tpu.memory_space<vmem>>) semaphore(%arg7 : memref<!tpu.dma_semaphore, #tpu.memory_space<semaphore_mem>>)
    %dma_start3A_92 = arith.constant 1 : i32
    %dma_start3A_93 = arith.constant 0 : i32
    %dma_start3A_94 = arith.constant 0 : i32
    %dma_start3A_95 = arith.constant 0 : i32
    %dma_start3A_96 = tpu.memref_slice %arg6[%dma_start3A_92, %dma_start3A_93, %dma_start3A_94, %dma_start3A_95] : memref<2x8x56x128xf32, #tpu.memory_space<vmem>> -> memref<1x1x50x128xf32, #tpu.memory_space<vmem>>
    %dma_start3A_97 = tpu.memref_squeeze %dma_start3A_96 : memref<1x1x50x128xf32, #tpu.memory_space<vmem>> -> memref<50x128xf32, #tpu.memory_space<vmem>>
    %dma_start3A_98 = arith.constant 448 : i32
    %dma_start3A_99 = tpu.memref_slice %arg5[%dma_start3A_98] : memref<7168xi32, #tpu.memory_space<vmem>> -> memref<50xi32, #tpu.memory_space<vmem>>
    %dma_start3A_100 = arith.constant 0 : i32
    %dma_start3A_101 = arith.constant 0 : i32
    %dma_start3A_102 = tpu.memref_slice %arg2[%dma_start3A_100, %dma_start3A_101] : memref<100000x128xf32, #tpu.memory_space<hbm>> -> memref<100000x128xf32, #tpu.memory_space<hbm>>
    tpu.enqueue_indirect_dma source(%dma_start3A_102 : memref<100000x128xf32, #tpu.memory_space<hbm>>) target(%dma_start3A_97 : memref<50x128xf32, #tpu.memory_space<vmem>>) offsets(%dma_start3A_99 : memref<50xi32, #tpu.memory_space<vmem>>) semaphore(%arg8 : memref<!tpu.dma_semaphore, #tpu.memory_space<semaphore_mem>>)
    %dma_start3A_103 = arith.constant 1 : i32
    %dma_start3A_104 = arith.constant 1 : i32
    %dma_start3A_105 = arith.constant 0 : i32
    %dma_start3A_106 = arith.constant 0 : i32
    %dma_start3A_107 = tpu.memref_slice %arg6[%dma_start3A_103, %dma_start3A_104, %dma_start3A_105, %dma_start3A_106] : memref<2x8x56x128xf32, #tpu.memory_space<vmem>> -> memref<1x1x50x128xf32, #tpu.memory_space<vmem>>
    %dma_start3A_108 = tpu.memref_squeeze %dma_start3A_107 : memref<1x1x50x128xf32, #tpu.memory_space<vmem>> -> memref<50x128xf32, #tpu.memory_space<vmem>>
    %dma_start3A_109 = arith.constant 504 : i32
    %dma_start3A_110 = tpu.memref_slice %arg5[%dma_start3A_109] : memref<7168xi32, #tpu.memory_space<vmem>> -> memref<50xi32, #tpu.memory_space<vmem>>
    %dma_start3A_111 = arith.constant 0 : i32
    %dma_start3A_112 = arith.constant 0 : i32
    %dma_start3A_113 = tpu.memref_slice %arg2[%dma_start3A_111, %dma_start3A_112] : memref<100000x128xf32, #tpu.memory_space<hbm>> -> memref<100000x128xf32, #tpu.memory_space<hbm>>
    tpu.enqueue_indirect_dma source(%dma_start3A_113 : memref<100000x128xf32, #tpu.memory_space<hbm>>) target(%dma_start3A_108 : memref<50x128xf32, #tpu.memory_space<vmem>>) offsets(%dma_start3A_110 : memref<50xi32, #tpu.memory_space<vmem>>) semaphore(%arg8 : memref<!tpu.dma_semaphore, #tpu.memory_space<semaphore_mem>>)
    %dma_start3A_114 = arith.constant 1 : i32
    %dma_start3A_115 = arith.constant 2 : i32
    %dma_start3A_116 = arith.constant 0 : i32
    %dma_start3A_117 = arith.constant 0 : i32
    %dma_start3A_118 = tpu.memref_slice %arg6[%dma_start3A_114, %dma_start3A_115, %dma_start3A_116, %dma_start3A_117] : memref<2x8x56x128xf32, #tpu.memory_space<vmem>> -> memref<1x1x50x128xf32, #tpu.memory_space<vmem>>
    %dma_start3A_119 = tpu.memref_squeeze %dma_start3A_118 : memref<1x1x50x128xf32, #tpu.memory_space<vmem>> -> memref<50x128xf32, #tpu.memory_space<vmem>>
    %dma_start3A_120 = arith.constant 560 : i32
    %dma_start3A_121 = tpu.memref_slice %arg5[%dma_start3A_120] : memref<7168xi32, #tpu.memory_space<vmem>> -> memref<50xi32, #tpu.memory_space<vmem>>
    %dma_start3A_122 = arith.constant 0 : i32
    %dma_start3A_123 = arith.constant 0 : i32
    %dma_start3A_124 = tpu.memref_slice %arg2[%dma_start3A_122, %dma_start3A_123] : memref<100000x128xf32, #tpu.memory_space<hbm>> -> memref<100000x128xf32, #tpu.memory_space<hbm>>
    tpu.enqueue_indirect_dma source(%dma_start3A_124 : memref<100000x128xf32, #tpu.memory_space<hbm>>) target(%dma_start3A_119 : memref<50x128xf32, #tpu.memory_space<vmem>>) offsets(%dma_start3A_121 : memref<50xi32, #tpu.memory_space<vmem>>) semaphore(%arg8 : memref<!tpu.dma_semaphore, #tpu.memory_space<semaphore_mem>>)
    %dma_start3A_125 = arith.constant 1 : i32
    %dma_start3A_126 = arith.constant 3 : i32
    %dma_start3A_127 = arith.constant 0 : i32
    %dma_start3A_128 = arith.constant 0 : i32
    %dma_start3A_129 = tpu.memref_slice %arg6[%dma_start3A_125, %dma_start3A_126, %dma_start3A_127, %dma_start3A_128] : memref<2x8x56x128xf32, #tpu.memory_space<vmem>> -> memref<1x1x50x128xf32, #tpu.memory_space<vmem>>
    %dma_start3A_130 = tpu.memref_squeeze %dma_start3A_129 : memref<1x1x50x128xf32, #tpu.memory_space<vmem>> -> memref<50x128xf32, #tpu.memory_space<vmem>>
    %dma_start3A_131 = arith.constant 616 : i32
    %dma_start3A_132 = tpu.memref_slice %arg5[%dma_start3A_131] : memref<7168xi32, #tpu.memory_space<vmem>> -> memref<50xi32, #tpu.memory_space<vmem>>
    %dma_start3A_133 = arith.constant 0 : i32
    %dma_start3A_134 = arith.constant 0 : i32
    %dma_start3A_135 = tpu.memref_slice %arg2[%dma_start3A_133, %dma_start3A_134] : memref<100000x128xf32, #tpu.memory_space<hbm>> -> memref<100000x128xf32, #tpu.memory_space<hbm>>
    tpu.enqueue_indirect_dma source(%dma_start3A_135 : memref<100000x128xf32, #tpu.memory_space<hbm>>) target(%dma_start3A_130 : memref<50x128xf32, #tpu.memory_space<vmem>>) offsets(%dma_start3A_132 : memref<50xi32, #tpu.memory_space<vmem>>) semaphore(%arg8 : memref<!tpu.dma_semaphore, #tpu.memory_space<semaphore_mem>>)
    %dma_start3A_136 = arith.constant 1 : i32
    %dma_start3A_137 = arith.constant 4 : i32
    %dma_start3A_138 = arith.constant 0 : i32
    %dma_start3A_139 = arith.constant 0 : i32
    %dma_start3A_140 = tpu.memref_slice %arg6[%dma_start3A_136, %dma_start3A_137, %dma_start3A_138, %dma_start3A_139] : memref<2x8x56x128xf32, #tpu.memory_space<vmem>> -> memref<1x1x50x128xf32, #tpu.memory_space<vmem>>
    %dma_start3A_141 = tpu.memref_squeeze %dma_start3A_140 : memref<1x1x50x128xf32, #tpu.memory_space<vmem>> -> memref<50x128xf32, #tpu.memory_space<vmem>>
    %dma_start3A_142 = arith.constant 672 : i32
    %dma_start3A_143 = tpu.memref_slice %arg5[%dma_start3A_142] : memref<7168xi32, #tpu.memory_space<vmem>> -> memref<50xi32, #tpu.memory_space<vmem>>
    %dma_start3A_144 = arith.constant 0 : i32
    %dma_start3A_145 = arith.constant 0 : i32
    %dma_start3A_146 = tpu.memref_slice %arg2[%dma_start3A_144, %dma_start3A_145] : memref<100000x128xf32, #tpu.memory_space<hbm>> -> memref<100000x128xf32, #tpu.memory_space<hbm>>
    tpu.enqueue_indirect_dma source(%dma_start3A_146 : memref<100000x128xf32, #tpu.memory_space<hbm>>) target(%dma_start3A_141 : memref<50x128xf32, #tpu.memory_space<vmem>>) offsets(%dma_start3A_143 : memref<50xi32, #tpu.memory_space<vmem>>) semaphore(%arg8 : memref<!tpu.dma_semaphore, #tpu.memory_space<semaphore_mem>>)
    %dma_start3A_147 = arith.constant 1 : i32
    %dma_start3A_148 = arith.constant 5 : i32
    %dma_start3A_149 = arith.constant 0 : i32
    %dma_start3A_150 = arith.constant 0 : i32
    %dma_start3A_151 = tpu.memref_slice %arg6[%dma_start3A_147, %dma_start3A_148, %dma_start3A_149, %dma_start3A_150] : memref<2x8x56x128xf32, #tpu.memory_space<vmem>> -> memref<1x1x50x128xf32, #tpu.memory_space<vmem>>
    %dma_start3A_152 = tpu.memref_squeeze %dma_start3A_151 : memref<1x1x50x128xf32, #tpu.memory_space<vmem>> -> memref<50x128xf32, #tpu.memory_space<vmem>>
    %dma_start3A_153 = arith.constant 728 : i32
    %dma_start3A_154 = tpu.memref_slice %arg5[%dma_start3A_153] : memref<7168xi32, #tpu.memory_space<vmem>> -> memref<50xi32, #tpu.memory_space<vmem>>
    %dma_start3A_155 = arith.constant 0 : i32
    %dma_start3A_156 = arith.constant 0 : i32
    %dma_start3A_157 = tpu.memref_slice %arg2[%dma_start3A_155, %dma_start3A_156] : memref<100000x128xf32, #tpu.memory_space<hbm>> -> memref<100000x128xf32, #tpu.memory_space<hbm>>
    tpu.enqueue_indirect_dma source(%dma_start3A_157 : memref<100000x128xf32, #tpu.memory_space<hbm>>) target(%dma_start3A_152 : memref<50x128xf32, #tpu.memory_space<vmem>>) offsets(%dma_start3A_154 : memref<50xi32, #tpu.memory_space<vmem>>) semaphore(%arg8 : memref<!tpu.dma_semaphore, #tpu.memory_space<semaphore_mem>>)
    %dma_start3A_158 = arith.constant 1 : i32
    %dma_start3A_159 = arith.constant 6 : i32
    %dma_start3A_160 = arith.constant 0 : i32
    %dma_start3A_161 = arith.constant 0 : i32
    %dma_start3A_162 = tpu.memref_slice %arg6[%dma_start3A_158, %dma_start3A_159, %dma_start3A_160, %dma_start3A_161] : memref<2x8x56x128xf32, #tpu.memory_space<vmem>> -> memref<1x1x50x128xf32, #tpu.memory_space<vmem>>
    %dma_start3A_163 = tpu.memref_squeeze %dma_start3A_162 : memref<1x1x50x128xf32, #tpu.memory_space<vmem>> -> memref<50x128xf32, #tpu.memory_space<vmem>>
    %dma_start3A_164 = arith.constant 784 : i32
    %dma_start3A_165 = tpu.memref_slice %arg5[%dma_start3A_164] : memref<7168xi32, #tpu.memory_space<vmem>> -> memref<50xi32, #tpu.memory_space<vmem>>
    %dma_start3A_166 = arith.constant 0 : i32
    %dma_start3A_167 = arith.constant 0 : i32
    %dma_start3A_168 = tpu.memref_slice %arg2[%dma_start3A_166, %dma_start3A_167] : memref<100000x128xf32, #tpu.memory_space<hbm>> -> memref<100000x128xf32, #tpu.memory_space<hbm>>
    tpu.enqueue_indirect_dma source(%dma_start3A_168 : memref<100000x128xf32, #tpu.memory_space<hbm>>) target(%dma_start3A_163 : memref<50x128xf32, #tpu.memory_space<vmem>>) offsets(%dma_start3A_165 : memref<50xi32, #tpu.memory_space<vmem>>) semaphore(%arg8 : memref<!tpu.dma_semaphore, #tpu.memory_space<semaphore_mem>>)
    %dma_start3A_169 = arith.constant 1 : i32
    %dma_start3A_170 = arith.constant 7 : i32
    %dma_start3A_171 = arith.constant 0 : i32
    %dma_start3A_172 = arith.constant 0 : i32
    %dma_start3A_173 = tpu.memref_slice %arg6[%dma_start3A_169, %dma_start3A_170, %dma_start3A_171, %dma_start3A_172] : memref<2x8x56x128xf32, #tpu.memory_space<vmem>> -> memref<1x1x50x128xf32, #tpu.memory_space<vmem>>
    %dma_start3A_174 = tpu.memref_squeeze %dma_start3A_173 : memref<1x1x50x128xf32, #tpu.memory_space<vmem>> -> memref<50x128xf32, #tpu.memory_space<vmem>>
    %dma_start3A_175 = arith.constant 840 : i32
    %dma_start3A_176 = tpu.memref_slice %arg5[%dma_start3A_175] : memref<7168xi32, #tpu.memory_space<vmem>> -> memref<50xi32, #tpu.memory_space<vmem>>
    %dma_start3A_177 = arith.constant 0 : i32
    %dma_start3A_178 = arith.constant 0 : i32
    %dma_start3A_179 = tpu.memref_slice %arg2[%dma_start3A_177, %dma_start3A_178] : memref<100000x128xf32, #tpu.memory_space<hbm>> -> memref<100000x128xf32, #tpu.memory_space<hbm>>
    tpu.enqueue_indirect_dma source(%dma_start3A_179 : memref<100000x128xf32, #tpu.memory_space<hbm>>) target(%dma_start3A_174 : memref<50x128xf32, #tpu.memory_space<vmem>>) offsets(%dma_start3A_176 : memref<50xi32, #tpu.memory_space<vmem>>) semaphore(%arg8 : memref<!tpu.dma_semaphore, #tpu.memory_space<semaphore_mem>>)
    %dma_wait3A = arith.constant 0 : i32
    %dma_wait3A_180 = arith.constant 0 : i32
    %dma_wait3A_181 = arith.constant 0 : i32
    %dma_wait3A_182 = arith.constant 0 : i32
    %dma_wait3A_183 = tpu.memref_slice %arg6[%dma_wait3A, %dma_wait3A_180, %dma_wait3A_181, %dma_wait3A_182] : memref<2x8x56x128xf32, #tpu.memory_space<vmem>> -> memref<1x1x50x128xf32, #tpu.memory_space<vmem>>
    %dma_wait3A_184 = tpu.memref_squeeze %dma_wait3A_183 : memref<1x1x50x128xf32, #tpu.memory_space<vmem>> -> memref<50x128xf32, #tpu.memory_space<vmem>>
    %dma_wait3A_185 = arith.constant 0 : i32
    %dma_wait3A_186 = tpu.memref_slice %arg5[%dma_wait3A_185] : memref<7168xi32, #tpu.memory_space<vmem>> -> memref<50xi32, #tpu.memory_space<vmem>>
    %dma_wait3A_187 = arith.constant 0 : i32
    %dma_wait3A_188 = arith.constant 0 : i32
    %dma_wait3A_189 = tpu.memref_slice %arg2[%dma_wait3A_187, %dma_wait3A_188] : memref<100000x128xf32, #tpu.memory_space<hbm>> -> memref<100000x128xf32, #tpu.memory_space<hbm>>
    tpu.wait_indirect_dma semaphore(%arg7 : memref<!tpu.dma_semaphore, #tpu.memory_space<semaphore_mem>>) src(%dma_wait3A_189 : memref<100000x128xf32, #tpu.memory_space<hbm>>) dst(%dma_wait3A_184 : memref<50x128xf32, #tpu.memory_space<vmem>>)
    %dma_wait3A_190 = arith.constant 0 : i32
    %dma_wait3A_191 = arith.constant 1 : i32
    %dma_wait3A_192 = arith.constant 0 : i32
    %dma_wait3A_193 = arith.constant 0 : i32
    %dma_wait3A_194 = tpu.memref_slice %arg6[%dma_wait3A_190, %dma_wait3A_191, %dma_wait3A_192, %dma_wait3A_193] : memref<2x8x56x128xf32, #tpu.memory_space<vmem>> -> memref<1x1x50x128xf32, #tpu.memory_space<vmem>>
    %dma_wait3A_195 = tpu.memref_squeeze %dma_wait3A_194 : memref<1x1x50x128xf32, #tpu.memory_space<vmem>> -> memref<50x128xf32, #tpu.memory_space<vmem>>
    %dma_wait3A_196 = arith.constant 56 : i32
    %dma_wait3A_197 = tpu.memref_slice %arg5[%dma_wait3A_196] : memref<7168xi32, #tpu.memory_space<vmem>> -> memref<50xi32, #tpu.memory_space<vmem>>
    %dma_wait3A_198 = arith.constant 0 : i32
    %dma_wait3A_199 = arith.constant 0 : i32
    %dma_wait3A_200 = tpu.memref_slice %arg2[%dma_wait3A_198, %dma_wait3A_199] : memref<100000x128xf32, #tpu.memory_space<hbm>> -> memref<100000x128xf32, #tpu.memory_space<hbm>>
    tpu.wait_indirect_dma semaphore(%arg7 : memref<!tpu.dma_semaphore, #tpu.memory_space<semaphore_mem>>) src(%dma_wait3A_200 : memref<100000x128xf32, #tpu.memory_space<hbm>>) dst(%dma_wait3A_195 : memref<50x128xf32, #tpu.memory_space<vmem>>)
    %dma_wait3A_201 = arith.constant 0 : i32
    %dma_wait3A_202 = arith.constant 2 : i32
    %dma_wait3A_203 = arith.constant 0 : i32
    %dma_wait3A_204 = arith.constant 0 : i32
    %dma_wait3A_205 = tpu.memref_slice %arg6[%dma_wait3A_201, %dma_wait3A_202, %dma_wait3A_203, %dma_wait3A_204] : memref<2x8x56x128xf32, #tpu.memory_space<vmem>> -> memref<1x1x50x128xf32, #tpu.memory_space<vmem>>
    %dma_wait3A_206 = tpu.memref_squeeze %dma_wait3A_205 : memref<1x1x50x128xf32, #tpu.memory_space<vmem>> -> memref<50x128xf32, #tpu.memory_space<vmem>>
    %dma_wait3A_207 = arith.constant 112 : i32
    %dma_wait3A_208 = tpu.memref_slice %arg5[%dma_wait3A_207] : memref<7168xi32, #tpu.memory_space<vmem>> -> memref<50xi32, #tpu.memory_space<vmem>>
    %dma_wait3A_209 = arith.constant 0 : i32
    %dma_wait3A_210 = arith.constant 0 : i32
    %dma_wait3A_211 = tpu.memref_slice %arg2[%dma_wait3A_209, %dma_wait3A_210] : memref<100000x128xf32, #tpu.memory_space<hbm>> -> memref<100000x128xf32, #tpu.memory_space<hbm>>
    tpu.wait_indirect_dma semaphore(%arg7 : memref<!tpu.dma_semaphore, #tpu.memory_space<semaphore_mem>>) src(%dma_wait3A_211 : memref<100000x128xf32, #tpu.memory_space<hbm>>) dst(%dma_wait3A_206 : memref<50x128xf32, #tpu.memory_space<vmem>>)
    %dma_wait3A_212 = arith.constant 0 : i32
    %dma_wait3A_213 = arith.constant 3 : i32
    %dma_wait3A_214 = arith.constant 0 : i32
    %dma_wait3A_215 = arith.constant 0 : i32
    %dma_wait3A_216 = tpu.memref_slice %arg6[%dma_wait3A_212, %dma_wait3A_213, %dma_wait3A_214, %dma_wait3A_215] : memref<2x8x56x128xf32, #tpu.memory_space<vmem>> -> memref<1x1x50x128xf32, #tpu.memory_space<vmem>>
    %dma_wait3A_217 = tpu.memref_squeeze %dma_wait3A_216 : memref<1x1x50x128xf32, #tpu.memory_space<vmem>> -> memref<50x128xf32, #tpu.memory_space<vmem>>
    %dma_wait3A_218 = arith.constant 168 : i32
    %dma_wait3A_219 = tpu.memref_slice %arg5[%dma_wait3A_218] : memref<7168xi32, #tpu.memory_space<vmem>> -> memref<50xi32, #tpu.memory_space<vmem>>
    %dma_wait3A_220 = arith.constant 0 : i32
    %dma_wait3A_221 = arith.constant 0 : i32
    %dma_wait3A_222 = tpu.memref_slice %arg2[%dma_wait3A_220, %dma_wait3A_221] : memref<100000x128xf32, #tpu.memory_space<hbm>> -> memref<100000x128xf32, #tpu.memory_space<hbm>>
    tpu.wait_indirect_dma semaphore(%arg7 : memref<!tpu.dma_semaphore, #tpu.memory_space<semaphore_mem>>) src(%dma_wait3A_222 : memref<100000x128xf32, #tpu.memory_space<hbm>>) dst(%dma_wait3A_217 : memref<50x128xf32, #tpu.memory_space<vmem>>)
    %dma_wait3A_223 = arith.constant 0 : i32
    %dma_wait3A_224 = arith.constant 4 : i32
    %dma_wait3A_225 = arith.constant 0 : i32
    %dma_wait3A_226 = arith.constant 0 : i32
    %dma_wait3A_227 = tpu.memref_slice %arg6[%dma_wait3A_223, %dma_wait3A_224, %dma_wait3A_225, %dma_wait3A_226] : memref<2x8x56x128xf32, #tpu.memory_space<vmem>> -> memref<1x1x50x128xf32, #tpu.memory_space<vmem>>
    %dma_wait3A_228 = tpu.memref_squeeze %dma_wait3A_227 : memref<1x1x50x128xf32, #tpu.memory_space<vmem>> -> memref<50x128xf32, #tpu.memory_space<vmem>>
    %dma_wait3A_229 = arith.constant 224 : i32
    %dma_wait3A_230 = tpu.memref_slice %arg5[%dma_wait3A_229] : memref<7168xi32, #tpu.memory_space<vmem>> -> memref<50xi32, #tpu.memory_space<vmem>>
    %dma_wait3A_231 = arith.constant 0 : i32
    %dma_wait3A_232 = arith.constant 0 : i32
    %dma_wait3A_233 = tpu.memref_slice %arg2[%dma_wait3A_231, %dma_wait3A_232] : memref<100000x128xf32, #tpu.memory_space<hbm>> -> memref<100000x128xf32, #tpu.memory_space<hbm>>
    tpu.wait_indirect_dma semaphore(%arg7 : memref<!tpu.dma_semaphore, #tpu.memory_space<semaphore_mem>>) src(%dma_wait3A_233 : memref<100000x128xf32, #tpu.memory_space<hbm>>) dst(%dma_wait3A_228 : memref<50x128xf32, #tpu.memory_space<vmem>>)
    %dma_wait3A_234 = arith.constant 0 : i32
    %dma_wait3A_235 = arith.constant 5 : i32
    %dma_wait3A_236 = arith.constant 0 : i32
    %dma_wait3A_237 = arith.constant 0 : i32
    %dma_wait3A_238 = tpu.memref_slice %arg6[%dma_wait3A_234, %dma_wait3A_235, %dma_wait3A_236, %dma_wait3A_237] : memref<2x8x56x128xf32, #tpu.memory_space<vmem>> -> memref<1x1x50x128xf32, #tpu.memory_space<vmem>>
    %dma_wait3A_239 = tpu.memref_squeeze %dma_wait3A_238 : memref<1x1x50x128xf32, #tpu.memory_space<vmem>> -> memref<50x128xf32, #tpu.memory_space<vmem>>
    %dma_wait3A_240 = arith.constant 280 : i32
    %dma_wait3A_241 = tpu.memref_slice %arg5[%dma_wait3A_240] : memref<7168xi32, #tpu.memory_space<vmem>> -> memref<50xi32, #tpu.memory_space<vmem>>
    %dma_wait3A_242 = arith.constant 0 : i32
    %dma_wait3A_243 = arith.constant 0 : i32
    %dma_wait3A_244 = tpu.memref_slice %arg2[%dma_wait3A_242, %dma_wait3A_243] : memref<100000x128xf32, #tpu.memory_space<hbm>> -> memref<100000x128xf32, #tpu.memory_space<hbm>>
    tpu.wait_indirect_dma semaphore(%arg7 : memref<!tpu.dma_semaphore, #tpu.memory_space<semaphore_mem>>) src(%dma_wait3A_244 : memref<100000x128xf32, #tpu.memory_space<hbm>>) dst(%dma_wait3A_239 : memref<50x128xf32, #tpu.memory_space<vmem>>)
    %dma_wait3A_245 = arith.constant 0 : i32
    %dma_wait3A_246 = arith.constant 6 : i32
    %dma_wait3A_247 = arith.constant 0 : i32
    %dma_wait3A_248 = arith.constant 0 : i32
    %dma_wait3A_249 = tpu.memref_slice %arg6[%dma_wait3A_245, %dma_wait3A_246, %dma_wait3A_247, %dma_wait3A_248] : memref<2x8x56x128xf32, #tpu.memory_space<vmem>> -> memref<1x1x50x128xf32, #tpu.memory_space<vmem>>
    %dma_wait3A_250 = tpu.memref_squeeze %dma_wait3A_249 : memref<1x1x50x128xf32, #tpu.memory_space<vmem>> -> memref<50x128xf32, #tpu.memory_space<vmem>>
    %dma_wait3A_251 = arith.constant 336 : i32
    %dma_wait3A_252 = tpu.memref_slice %arg5[%dma_wait3A_251] : memref<7168xi32, #tpu.memory_space<vmem>> -> memref<50xi32, #tpu.memory_space<vmem>>
    %dma_wait3A_253 = arith.constant 0 : i32
    %dma_wait3A_254 = arith.constant 0 : i32
    %dma_wait3A_255 = tpu.memref_slice %arg2[%dma_wait3A_253, %dma_wait3A_254] : memref<100000x128xf32, #tpu.memory_space<hbm>> -> memref<100000x128xf32, #tpu.memory_space<hbm>>
    tpu.wait_indirect_dma semaphore(%arg7 : memref<!tpu.dma_semaphore, #tpu.memory_space<semaphore_mem>>) src(%dma_wait3A_255 : memref<100000x128xf32, #tpu.memory_space<hbm>>) dst(%dma_wait3A_250 : memref<50x128xf32, #tpu.memory_space<vmem>>)
    %dma_wait3A_256 = arith.constant 0 : i32
    %dma_wait3A_257 = arith.constant 7 : i32
    %dma_wait3A_258 = arith.constant 0 : i32
    %dma_wait3A_259 = arith.constant 0 : i32
    %dma_wait3A_260 = tpu.memref_slice %arg6[%dma_wait3A_256, %dma_wait3A_257, %dma_wait3A_258, %dma_wait3A_259] : memref<2x8x56x128xf32, #tpu.memory_space<vmem>> -> memref<1x1x50x128xf32, #tpu.memory_space<vmem>>
    %dma_wait3A_261 = tpu.memref_squeeze %dma_wait3A_260 : memref<1x1x50x128xf32, #tpu.memory_space<vmem>> -> memref<50x128xf32, #tpu.memory_space<vmem>>
    %dma_wait3A_262 = arith.constant 392 : i32
    %dma_wait3A_263 = tpu.memref_slice %arg5[%dma_wait3A_262] : memref<7168xi32, #tpu.memory_space<vmem>> -> memref<50xi32, #tpu.memory_space<vmem>>
    %dma_wait3A_264 = arith.constant 0 : i32
    %dma_wait3A_265 = arith.constant 0 : i32
    %dma_wait3A_266 = tpu.memref_slice %arg2[%dma_wait3A_264, %dma_wait3A_265] : memref<100000x128xf32, #tpu.memory_space<hbm>> -> memref<100000x128xf32, #tpu.memory_space<hbm>>
    tpu.wait_indirect_dma semaphore(%arg7 : memref<!tpu.dma_semaphore, #tpu.memory_space<semaphore_mem>>) src(%dma_wait3A_266 : memref<100000x128xf32, #tpu.memory_space<hbm>>) dst(%dma_wait3A_261 : memref<50x128xf32, #tpu.memory_space<vmem>>)
    %add3A_267 = arith.constant 0 : i32
    %add3A_268 = arith.addi %mul3A_2, %add3A_267 : i32
    %dma_start3A_269 = arith.constant 0 : i32
    %dma_start3A_270 = arith.constant 0 : i32
    %dma_start3A_271 = arith.constant 0 : i32
    %dma_start3A_272 = arith.constant 0 : i32
    %dma_start3A_273 = tpu.memref_slice %arg6[%dma_start3A_269, %dma_start3A_270, %dma_start3A_271, %dma_start3A_272] : memref<2x8x56x128xf32, #tpu.memory_space<vmem>> -> memref<1x8x50x128xf32, #tpu.memory_space<vmem>>
    %dma_start3A_274 = tpu.memref_squeeze %dma_start3A_273 : memref<1x8x50x128xf32, #tpu.memory_space<vmem>> -> memref<8x50x128xf32, #tpu.memory_space<vmem>>
    %dma_start3A_275 = arith.constant 0 : i32
    %dma_start3A_276 = arith.constant 0 : i32
    %dma_start3A_277 = tpu.memref_slice %arg4[%add3A_268, %dma_start3A_275, %dma_start3A_276] : memref<4096x50x128xf32, #tpu.memory_space<hbm>> -> memref<8x50x128xf32, #tpu.memory_space<hbm>>
    %dma_start3A_278 = arith.constant 0 : i32
    %dma_start3A_279 = arith.constant 0 : i32
    %dma_start3A_280 = tpu.memref_slice %arg4[%add3A_268, %dma_start3A_278, %dma_start3A_279] : memref<4096x50x128xf32, #tpu.memory_space<hbm>> -> memref<8x50x128xf32, #tpu.memory_space<hbm>>
    %dma_start3A_281 = arith.constant 0 : i32
    %dma_start3A_282 = arith.constant 0 : i32
    %dma_start3A_283 = arith.constant 0 : i32
    %dma_start3A_284 = tpu.memref_slice %arg6[%dma_start3A_269, %dma_start3A_281, %dma_start3A_282, %dma_start3A_283] : memref<2x8x56x128xf32, #tpu.memory_space<vmem>> -> memref<1x8x50x128xf32, #tpu.memory_space<vmem>>
    %dma_start3A_285 = tpu.memref_squeeze %dma_start3A_284 : memref<1x8x50x128xf32, #tpu.memory_space<vmem>> -> memref<8x50x128xf32, #tpu.memory_space<vmem>>
    tpu.enqueue_dma source(%dma_start3A_285 : memref<8x50x128xf32, #tpu.memory_space<vmem>>) target(%dma_start3A_280 : memref<8x50x128xf32, #tpu.memory_space<hbm>>) target_semaphore(%arg9 : memref<!tpu.dma_semaphore, #tpu.memory_space<semaphore_mem>>)
    %scan3A = arith.constant 0 : i32
    %scan3A_286 = arith.constant 1 : i32
    %scan3A_287 = arith.constant 7 : i32
    %scan3A_288 = arith.addi %scan3A_286, %scan3A_287 : i32
    %scan3A_289 = arith.constant 1 : i32
    scf.for %scan3A_436 = %scan3A_286 to %scan3A_288 step %scan3A_289  : i32 {
      %mul3A_437 = arith.constant 2 : i32
      %mul3A_438 = arith.muli %scan3A_436, %mul3A_437 : i32
      %add3A_439 = arith.constant 0 : i32
      %add3A_440 = arith.addi %mul3A_438, %add3A_439 : i32
      %sub3A = arith.constant 2 : i32
      %sub3A_441 = arith.subi %add3A_440, %sub3A : i32
      %mul3A_442 = arith.constant 8 : i32
      %mul3A_443 = arith.muli %sub3A_441, %mul3A_442 : i32
      %add3A_444 = arith.addi %mul3A_2, %mul3A_443 : i32
      %dma_wait3A_445 = arith.constant 0 : i32
      %dma_wait3A_446 = arith.constant 0 : i32
      %dma_wait3A_447 = arith.constant 0 : i32
      %dma_wait3A_448 = arith.constant 0 : i32
      %dma_wait3A_449 = tpu.memref_slice %arg6[%dma_wait3A_445, %dma_wait3A_446, %dma_wait3A_447, %dma_wait3A_448] : memref<2x8x56x128xf32, #tpu.memory_space<vmem>> -> memref<1x8x50x128xf32, #tpu.memory_space<vmem>>
      %dma_wait3A_450 = tpu.memref_squeeze %dma_wait3A_449 : memref<1x8x50x128xf32, #tpu.memory_space<vmem>> -> memref<8x50x128xf32, #tpu.memory_space<vmem>>
      %dma_wait3A_451 = arith.constant 0 : i32
      %dma_wait3A_452 = arith.constant 0 : i32
      %dma_wait3A_453 = tpu.memref_slice %arg4[%add3A_444, %dma_wait3A_451, %dma_wait3A_452] : memref<4096x50x128xf32, #tpu.memory_space<hbm>> -> memref<8x50x128xf32, #tpu.memory_space<hbm>>
      %dma_wait3A_454 = arith.constant 0 : i32
      %dma_wait3A_455 = arith.constant 0 : i32
      %dma_wait3A_456 = tpu.memref_slice %arg4[%add3A_444, %dma_wait3A_454, %dma_wait3A_455] : memref<4096x50x128xf32, #tpu.memory_space<hbm>> -> memref<8x50x128xf32, #tpu.memory_space<hbm>>
      %dma_wait3A_457 = arith.constant 0 : i32
      %dma_wait3A_458 = arith.constant 0 : i32
      %dma_wait3A_459 = arith.constant 0 : i32
      %dma_wait3A_460 = tpu.memref_slice %arg6[%dma_wait3A_445, %dma_wait3A_457, %dma_wait3A_458, %dma_wait3A_459] : memref<2x8x56x128xf32, #tpu.memory_space<vmem>> -> memref<1x8x50x128xf32, #tpu.memory_space<vmem>>
      %dma_wait3A_461 = tpu.memref_squeeze %dma_wait3A_460 : memref<1x8x50x128xf32, #tpu.memory_space<vmem>> -> memref<8x50x128xf32, #tpu.memory_space<vmem>>
      tpu.wait_dma2 semaphore(%arg9 : memref<!tpu.dma_semaphore, #tpu.memory_space<semaphore_mem>>) src(%dma_wait3A_461 : memref<8x50x128xf32, #tpu.memory_space<vmem>>) dst(%dma_wait3A_456 : memref<8x50x128xf32, #tpu.memory_space<hbm>>)
      %mul3A_462 = arith.constant 8 : i32
      %mul3A_463 = arith.muli %add3A_440, %mul3A_462 : i32
      %add3A_464 = arith.constant 0 : i32
      %add3A_465 = arith.addi %mul3A_463, %add3A_464 : i32
      %mul3A_466 = arith.constant 56 : i32
      %mul3A_467 = arith.muli %add3A_465, %mul3A_466 : i32
      %dma_start3A_468 = arith.constant 0 : i32
      %dma_start3A_469 = arith.constant 0 : i32
      %dma_start3A_470 = arith.constant 0 : i32
      %dma_start3A_471 = arith.constant 0 : i32
      %dma_start3A_472 = tpu.memref_slice %arg6[%dma_start3A_468, %dma_start3A_469, %dma_start3A_470, %dma_start3A_471] : memref<2x8x56x128xf32, #tpu.memory_space<vmem>> -> memref<1x1x50x128xf32, #tpu.memory_space<vmem>>
      %dma_start3A_473 = tpu.memref_squeeze %dma_start3A_472 : memref<1x1x50x128xf32, #tpu.memory_space<vmem>> -> memref<50x128xf32, #tpu.memory_space<vmem>>
      %dma_start3A_474 = tpu.memref_slice %arg5[%mul3A_467] : memref<7168xi32, #tpu.memory_space<vmem>> -> memref<50xi32, #tpu.memory_space<vmem>>
      %dma_start3A_475 = arith.constant 0 : i32
      %dma_start3A_476 = arith.constant 0 : i32
      %dma_start3A_477 = tpu.memref_slice %arg2[%dma_start3A_475, %dma_start3A_476] : memref<100000x128xf32, #tpu.memory_space<hbm>> -> memref<100000x128xf32, #tpu.memory_space<hbm>>
      tpu.enqueue_indirect_dma source(%dma_start3A_477 : memref<100000x128xf32, #tpu.memory_space<hbm>>) target(%dma_start3A_473 : memref<50x128xf32, #tpu.memory_space<vmem>>) offsets(%dma_start3A_474 : memref<50xi32, #tpu.memory_space<vmem>>) semaphore(%arg7 : memref<!tpu.dma_semaphore, #tpu.memory_space<semaphore_mem>>)
      %mul3A_478 = arith.constant 8 : i32
      %mul3A_479 = arith.muli %add3A_440, %mul3A_478 : i32
      %add3A_480 = arith.constant 1 : i32
      %add3A_481 = arith.addi %mul3A_479, %add3A_480 : i32
      %mul3A_482 = arith.constant 56 : i32
      %mul3A_483 = arith.muli %add3A_481, %mul3A_482 : i32
      %dma_start3A_484 = arith.constant 0 : i32
      %dma_start3A_485 = arith.constant 1 : i32
      %dma_start3A_486 = arith.constant 0 : i32
      %dma_start3A_487 = arith.constant 0 : i32
      %dma_start3A_488 = tpu.memref_slice %arg6[%dma_start3A_484, %dma_start3A_485, %dma_start3A_486, %dma_start3A_487] : memref<2x8x56x128xf32, #tpu.memory_space<vmem>> -> memref<1x1x50x128xf32, #tpu.memory_space<vmem>>
      %dma_start3A_489 = tpu.memref_squeeze %dma_start3A_488 : memref<1x1x50x128xf32, #tpu.memory_space<vmem>> -> memref<50x128xf32, #tpu.memory_space<vmem>>
      %dma_start3A_490 = tpu.memref_slice %arg5[%mul3A_483] : memref<7168xi32, #tpu.memory_space<vmem>> -> memref<50xi32, #tpu.memory_space<vmem>>
      %dma_start3A_491 = arith.constant 0 : i32
      %dma_start3A_492 = arith.constant 0 : i32
      %dma_start3A_493 = tpu.memref_slice %arg2[%dma_start3A_491, %dma_start3A_492] : memref<100000x128xf32, #tpu.memory_space<hbm>> -> memref<100000x128xf32, #tpu.memory_space<hbm>>
      tpu.enqueue_indirect_dma source(%dma_start3A_493 : memref<100000x128xf32, #tpu.memory_space<hbm>>) target(%dma_start3A_489 : memref<50x128xf32, #tpu.memory_space<vmem>>) offsets(%dma_start3A_490 : memref<50xi32, #tpu.memory_space<vmem>>) semaphore(%arg7 : memref<!tpu.dma_semaphore, #tpu.memory_space<semaphore_mem>>)
      %mul3A_494 = arith.constant 8 : i32
      %mul3A_495 = arith.muli %add3A_440, %mul3A_494 : i32
      %add3A_496 = arith.constant 2 : i32
      %add3A_497 = arith.addi %mul3A_495, %add3A_496 : i32
      %mul3A_498 = arith.constant 56 : i32
      %mul3A_499 = arith.muli %add3A_497, %mul3A_498 : i32
      %dma_start3A_500 = arith.constant 0 : i32
      %dma_start3A_501 = arith.constant 2 : i32
      %dma_start3A_502 = arith.constant 0 : i32
      %dma_start3A_503 = arith.constant 0 : i32
      %dma_start3A_504 = tpu.memref_slice %arg6[%dma_start3A_500, %dma_start3A_501, %dma_start3A_502, %dma_start3A_503] : memref<2x8x56x128xf32, #tpu.memory_space<vmem>> -> memref<1x1x50x128xf32, #tpu.memory_space<vmem>>
      %dma_start3A_505 = tpu.memref_squeeze %dma_start3A_504 : memref<1x1x50x128xf32, #tpu.memory_space<vmem>> -> memref<50x128xf32, #tpu.memory_space<vmem>>
      %dma_start3A_506 = tpu.memref_slice %arg5[%mul3A_499] : memref<7168xi32, #tpu.memory_space<vmem>> -> memref<50xi32, #tpu.memory_space<vmem>>
      %dma_start3A_507 = arith.constant 0 : i32
      %dma_start3A_508 = arith.constant 0 : i32
      %dma_start3A_509 = tpu.memref_slice %arg2[%dma_start3A_507, %dma_start3A_508] : memref<100000x128xf32, #tpu.memory_space<hbm>> -> memref<100000x128xf32, #tpu.memory_space<hbm>>
      tpu.enqueue_indirect_dma source(%dma_start3A_509 : memref<100000x128xf32, #tpu.memory_space<hbm>>) target(%dma_start3A_505 : memref<50x128xf32, #tpu.memory_space<vmem>>) offsets(%dma_start3A_506 : memref<50xi32, #tpu.memory_space<vmem>>) semaphore(%arg7 : memref<!tpu.dma_semaphore, #tpu.memory_space<semaphore_mem>>)
      %mul3A_510 = arith.constant 8 : i32
      %mul3A_511 = arith.muli %add3A_440, %mul3A_510 : i32
      %add3A_512 = arith.constant 3 : i32
      %add3A_513 = arith.addi %mul3A_511, %add3A_512 : i32
      %mul3A_514 = arith.constant 56 : i32
      %mul3A_515 = arith.muli %add3A_513, %mul3A_514 : i32
      %dma_start3A_516 = arith.constant 0 : i32
      %dma_start3A_517 = arith.constant 3 : i32
      %dma_start3A_518 = arith.constant 0 : i32
      %dma_start3A_519 = arith.constant 0 : i32
      %dma_start3A_520 = tpu.memref_slice %arg6[%dma_start3A_516, %dma_start3A_517, %dma_start3A_518, %dma_start3A_519] : memref<2x8x56x128xf32, #tpu.memory_space<vmem>> -> memref<1x1x50x128xf32, #tpu.memory_space<vmem>>
      %dma_start3A_521 = tpu.memref_squeeze %dma_start3A_520 : memref<1x1x50x128xf32, #tpu.memory_space<vmem>> -> memref<50x128xf32, #tpu.memory_space<vmem>>
      %dma_start3A_522 = tpu.memref_slice %arg5[%mul3A_515] : memref<7168xi32, #tpu.memory_space<vmem>> -> memref<50xi32, #tpu.memory_space<vmem>>
      %dma_start3A_523 = arith.constant 0 : i32
      %dma_start3A_524 = arith.constant 0 : i32
      %dma_start3A_525 = tpu.memref_slice %arg2[%dma_start3A_523, %dma_start3A_524] : memref<100000x128xf32, #tpu.memory_space<hbm>> -> memref<100000x128xf32, #tpu.memory_space<hbm>>
      tpu.enqueue_indirect_dma source(%dma_start3A_525 : memref<100000x128xf32, #tpu.memory_space<hbm>>) target(%dma_start3A_521 : memref<50x128xf32, #tpu.memory_space<vmem>>) offsets(%dma_start3A_522 : memref<50xi32, #tpu.memory_space<vmem>>) semaphore(%arg7 : memref<!tpu.dma_semaphore, #tpu.memory_space<semaphore_mem>>)
      %mul3A_526 = arith.constant 8 : i32
      %mul3A_527 = arith.muli %add3A_440, %mul3A_526 : i32
      %add3A_528 = arith.constant 4 : i32
      %add3A_529 = arith.addi %mul3A_527, %add3A_528 : i32
      %mul3A_530 = arith.constant 56 : i32
      %mul3A_531 = arith.muli %add3A_529, %mul3A_530 : i32
      %dma_start3A_532 = arith.constant 0 : i32
      %dma_start3A_533 = arith.constant 4 : i32
      %dma_start3A_534 = arith.constant 0 : i32
      %dma_start3A_535 = arith.constant 0 : i32
      %dma_start3A_536 = tpu.memref_slice %arg6[%dma_start3A_532, %dma_start3A_533, %dma_start3A_534, %dma_start3A_535] : memref<2x8x56x128xf32, #tpu.memory_space<vmem>> -> memref<1x1x50x128xf32, #tpu.memory_space<vmem>>
      %dma_start3A_537 = tpu.memref_squeeze %dma_start3A_536 : memref<1x1x50x128xf32, #tpu.memory_space<vmem>> -> memref<50x128xf32, #tpu.memory_space<vmem>>
      %dma_start3A_538 = tpu.memref_slice %arg5[%mul3A_531] : memref<7168xi32, #tpu.memory_space<vmem>> -> memref<50xi32, #tpu.memory_space<vmem>>
      %dma_start3A_539 = arith.constant 0 : i32
      %dma_start3A_540 = arith.constant 0 : i32
      %dma_start3A_541 = tpu.memref_slice %arg2[%dma_start3A_539, %dma_start3A_540] : memref<100000x128xf32, #tpu.memory_space<hbm>> -> memref<100000x128xf32, #tpu.memory_space<hbm>>
      tpu.enqueue_indirect_dma source(%dma_start3A_541 : memref<100000x128xf32, #tpu.memory_space<hbm>>) target(%dma_start3A_537 : memref<50x128xf32, #tpu.memory_space<vmem>>) offsets(%dma_start3A_538 : memref<50xi32, #tpu.memory_space<vmem>>) semaphore(%arg7 : memref<!tpu.dma_semaphore, #tpu.memory_space<semaphore_mem>>)
      %mul3A_542 = arith.constant 8 : i32
      %mul3A_543 = arith.muli %add3A_440, %mul3A_542 : i32
      %add3A_544 = arith.constant 5 : i32
      %add3A_545 = arith.addi %mul3A_543, %add3A_544 : i32
      %mul3A_546 = arith.constant 56 : i32
      %mul3A_547 = arith.muli %add3A_545, %mul3A_546 : i32
      %dma_start3A_548 = arith.constant 0 : i32
      %dma_start3A_549 = arith.constant 5 : i32
      %dma_start3A_550 = arith.constant 0 : i32
      %dma_start3A_551 = arith.constant 0 : i32
      %dma_start3A_552 = tpu.memref_slice %arg6[%dma_start3A_548, %dma_start3A_549, %dma_start3A_550, %dma_start3A_551] : memref<2x8x56x128xf32, #tpu.memory_space<vmem>> -> memref<1x1x50x128xf32, #tpu.memory_space<vmem>>
      %dma_start3A_553 = tpu.memref_squeeze %dma_start3A_552 : memref<1x1x50x128xf32, #tpu.memory_space<vmem>> -> memref<50x128xf32, #tpu.memory_space<vmem>>
      %dma_start3A_554 = tpu.memref_slice %arg5[%mul3A_547] : memref<7168xi32, #tpu.memory_space<vmem>> -> memref<50xi32, #tpu.memory_space<vmem>>
      %dma_start3A_555 = arith.constant 0 : i32
      %dma_start3A_556 = arith.constant 0 : i32
      %dma_start3A_557 = tpu.memref_slice %arg2[%dma_start3A_555, %dma_start3A_556] : memref<100000x128xf32, #tpu.memory_space<hbm>> -> memref<100000x128xf32, #tpu.memory_space<hbm>>
      tpu.enqueue_indirect_dma source(%dma_start3A_557 : memref<100000x128xf32, #tpu.memory_space<hbm>>) target(%dma_start3A_553 : memref<50x128xf32, #tpu.memory_space<vmem>>) offsets(%dma_start3A_554 : memref<50xi32, #tpu.memory_space<vmem>>) semaphore(%arg7 : memref<!tpu.dma_semaphore, #tpu.memory_space<semaphore_mem>>)
      %mul3A_558 = arith.constant 8 : i32
      %mul3A_559 = arith.muli %add3A_440, %mul3A_558 : i32
      %add3A_560 = arith.constant 6 : i32
      %add3A_561 = arith.addi %mul3A_559, %add3A_560 : i32
      %mul3A_562 = arith.constant 56 : i32
      %mul3A_563 = arith.muli %add3A_561, %mul3A_562 : i32
      %dma_start3A_564 = arith.constant 0 : i32
      %dma_start3A_565 = arith.constant 6 : i32
      %dma_start3A_566 = arith.constant 0 : i32
      %dma_start3A_567 = arith.constant 0 : i32
      %dma_start3A_568 = tpu.memref_slice %arg6[%dma_start3A_564, %dma_start3A_565, %dma_start3A_566, %dma_start3A_567] : memref<2x8x56x128xf32, #tpu.memory_space<vmem>> -> memref<1x1x50x128xf32, #tpu.memory_space<vmem>>
      %dma_start3A_569 = tpu.memref_squeeze %dma_start3A_568 : memref<1x1x50x128xf32, #tpu.memory_space<vmem>> -> memref<50x128xf32, #tpu.memory_space<vmem>>
      %dma_start3A_570 = tpu.memref_slice %arg5[%mul3A_563] : memref<7168xi32, #tpu.memory_space<vmem>> -> memref<50xi32, #tpu.memory_space<vmem>>
      %dma_start3A_571 = arith.constant 0 : i32
      %dma_start3A_572 = arith.constant 0 : i32
      %dma_start3A_573 = tpu.memref_slice %arg2[%dma_start3A_571, %dma_start3A_572] : memref<100000x128xf32, #tpu.memory_space<hbm>> -> memref<100000x128xf32, #tpu.memory_space<hbm>>
      tpu.enqueue_indirect_dma source(%dma_start3A_573 : memref<100000x128xf32, #tpu.memory_space<hbm>>) target(%dma_start3A_569 : memref<50x128xf32, #tpu.memory_space<vmem>>) offsets(%dma_start3A_570 : memref<50xi32, #tpu.memory_space<vmem>>) semaphore(%arg7 : memref<!tpu.dma_semaphore, #tpu.memory_space<semaphore_mem>>)
      %mul3A_574 = arith.constant 8 : i32
      %mul3A_575 = arith.muli %add3A_440, %mul3A_574 : i32
      %add3A_576 = arith.constant 7 : i32
      %add3A_577 = arith.addi %mul3A_575, %add3A_576 : i32
      %mul3A_578 = arith.constant 56 : i32
      %mul3A_579 = arith.muli %add3A_577, %mul3A_578 : i32
      %dma_start3A_580 = arith.constant 0 : i32
      %dma_start3A_581 = arith.constant 7 : i32
      %dma_start3A_582 = arith.constant 0 : i32
      %dma_start3A_583 = arith.constant 0 : i32
      %dma_start3A_584 = tpu.memref_slice %arg6[%dma_start3A_580, %dma_start3A_581, %dma_start3A_582, %dma_start3A_583] : memref<2x8x56x128xf32, #tpu.memory_space<vmem>> -> memref<1x1x50x128xf32, #tpu.memory_space<vmem>>
      %dma_start3A_585 = tpu.memref_squeeze %dma_start3A_584 : memref<1x1x50x128xf32, #tpu.memory_space<vmem>> -> memref<50x128xf32, #tpu.memory_space<vmem>>
      %dma_start3A_586 = tpu.memref_slice %arg5[%mul3A_579] : memref<7168xi32, #tpu.memory_space<vmem>> -> memref<50xi32, #tpu.memory_space<vmem>>
      %dma_start3A_587 = arith.constant 0 : i32
      %dma_start3A_588 = arith.constant 0 : i32
      %dma_start3A_589 = tpu.memref_slice %arg2[%dma_start3A_587, %dma_start3A_588] : memref<100000x128xf32, #tpu.memory_space<hbm>> -> memref<100000x128xf32, #tpu.memory_space<hbm>>
      tpu.enqueue_indirect_dma source(%dma_start3A_589 : memref<100000x128xf32, #tpu.memory_space<hbm>>) target(%dma_start3A_585 : memref<50x128xf32, #tpu.memory_space<vmem>>) offsets(%dma_start3A_586 : memref<50xi32, #tpu.memory_space<vmem>>) semaphore(%arg7 : memref<!tpu.dma_semaphore, #tpu.memory_space<semaphore_mem>>)
      %sub3A_590 = arith.constant 1 : i32
      %sub3A_591 = arith.subi %add3A_440, %sub3A_590 : i32
      %mul3A_592 = arith.constant 8 : i32
      %mul3A_593 = arith.muli %sub3A_591, %mul3A_592 : i32
      %add3A_594 = arith.constant 0 : i32
      %add3A_595 = arith.addi %mul3A_593, %add3A_594 : i32
      %mul3A_596 = arith.constant 56 : i32
      %mul3A_597 = arith.muli %add3A_595, %mul3A_596 : i32
      %dma_wait3A_598 = arith.constant 1 : i32
      %dma_wait3A_599 = arith.constant 0 : i32
      %dma_wait3A_600 = arith.constant 0 : i32
      %dma_wait3A_601 = arith.constant 0 : i32
      %dma_wait3A_602 = tpu.memref_slice %arg6[%dma_wait3A_598, %dma_wait3A_599, %dma_wait3A_600, %dma_wait3A_601] : memref<2x8x56x128xf32, #tpu.memory_space<vmem>> -> memref<1x1x50x128xf32, #tpu.memory_space<vmem>>
      %dma_wait3A_603 = tpu.memref_squeeze %dma_wait3A_602 : memref<1x1x50x128xf32, #tpu.memory_space<vmem>> -> memref<50x128xf32, #tpu.memory_space<vmem>>
      %dma_wait3A_604 = tpu.memref_slice %arg5[%mul3A_597] : memref<7168xi32, #tpu.memory_space<vmem>> -> memref<50xi32, #tpu.memory_space<vmem>>
      %dma_wait3A_605 = arith.constant 0 : i32
      %dma_wait3A_606 = arith.constant 0 : i32
      %dma_wait3A_607 = tpu.memref_slice %arg2[%dma_wait3A_605, %dma_wait3A_606] : memref<100000x128xf32, #tpu.memory_space<hbm>> -> memref<100000x128xf32, #tpu.memory_space<hbm>>
      tpu.wait_indirect_dma semaphore(%arg8 : memref<!tpu.dma_semaphore, #tpu.memory_space<semaphore_mem>>) src(%dma_wait3A_607 : memref<100000x128xf32, #tpu.memory_space<hbm>>) dst(%dma_wait3A_603 : memref<50x128xf32, #tpu.memory_space<vmem>>)
      %mul3A_608 = arith.constant 8 : i32
      %mul3A_609 = arith.muli %sub3A_591, %mul3A_608 : i32
      %add3A_610 = arith.constant 1 : i32
      %add3A_611 = arith.addi %mul3A_609, %add3A_610 : i32
      %mul3A_612 = arith.constant 56 : i32
      %mul3A_613 = arith.muli %add3A_611, %mul3A_612 : i32
      %dma_wait3A_614 = arith.constant 1 : i32
      %dma_wait3A_615 = arith.constant 1 : i32
      %dma_wait3A_616 = arith.constant 0 : i32
      %dma_wait3A_617 = arith.constant 0 : i32
      %dma_wait3A_618 = tpu.memref_slice %arg6[%dma_wait3A_614, %dma_wait3A_615, %dma_wait3A_616, %dma_wait3A_617] : memref<2x8x56x128xf32, #tpu.memory_space<vmem>> -> memref<1x1x50x128xf32, #tpu.memory_space<vmem>>
      %dma_wait3A_619 = tpu.memref_squeeze %dma_wait3A_618 : memref<1x1x50x128xf32, #tpu.memory_space<vmem>> -> memref<50x128xf32, #tpu.memory_space<vmem>>
      %dma_wait3A_620 = tpu.memref_slice %arg5[%mul3A_613] : memref<7168xi32, #tpu.memory_space<vmem>> -> memref<50xi32, #tpu.memory_space<vmem>>
      %dma_wait3A_621 = arith.constant 0 : i32
      %dma_wait3A_622 = arith.constant 0 : i32
      %dma_wait3A_623 = tpu.memref_slice %arg2[%dma_wait3A_621, %dma_wait3A_622] : memref<100000x128xf32, #tpu.memory_space<hbm>> -> memref<100000x128xf32, #tpu.memory_space<hbm>>
      tpu.wait_indirect_dma semaphore(%arg8 : memref<!tpu.dma_semaphore, #tpu.memory_space<semaphore_mem>>) src(%dma_wait3A_623 : memref<100000x128xf32, #tpu.memory_space<hbm>>) dst(%dma_wait3A_619 : memref<50x128xf32, #tpu.memory_space<vmem>>)
      %mul3A_624 = arith.constant 8 : i32
      %mul3A_625 = arith.muli %sub3A_591, %mul3A_624 : i32
      %add3A_626 = arith.constant 2 : i32
      %add3A_627 = arith.addi %mul3A_625, %add3A_626 : i32
      %mul3A_628 = arith.constant 56 : i32
      %mul3A_629 = arith.muli %add3A_627, %mul3A_628 : i32
      %dma_wait3A_630 = arith.constant 1 : i32
      %dma_wait3A_631 = arith.constant 2 : i32
      %dma_wait3A_632 = arith.constant 0 : i32
      %dma_wait3A_633 = arith.constant 0 : i32
      %dma_wait3A_634 = tpu.memref_slice %arg6[%dma_wait3A_630, %dma_wait3A_631, %dma_wait3A_632, %dma_wait3A_633] : memref<2x8x56x128xf32, #tpu.memory_space<vmem>> -> memref<1x1x50x128xf32, #tpu.memory_space<vmem>>
      %dma_wait3A_635 = tpu.memref_squeeze %dma_wait3A_634 : memref<1x1x50x128xf32, #tpu.memory_space<vmem>> -> memref<50x128xf32, #tpu.memory_space<vmem>>
      %dma_wait3A_636 = tpu.memref_slice %arg5[%mul3A_629] : memref<7168xi32, #tpu.memory_space<vmem>> -> memref<50xi32, #tpu.memory_space<vmem>>
      %dma_wait3A_637 = arith.constant 0 : i32
      %dma_wait3A_638 = arith.constant 0 : i32
      %dma_wait3A_639 = tpu.memref_slice %arg2[%dma_wait3A_637, %dma_wait3A_638] : memref<100000x128xf32, #tpu.memory_space<hbm>> -> memref<100000x128xf32, #tpu.memory_space<hbm>>
      tpu.wait_indirect_dma semaphore(%arg8 : memref<!tpu.dma_semaphore, #tpu.memory_space<semaphore_mem>>) src(%dma_wait3A_639 : memref<100000x128xf32, #tpu.memory_space<hbm>>) dst(%dma_wait3A_635 : memref<50x128xf32, #tpu.memory_space<vmem>>)
      %mul3A_640 = arith.constant 8 : i32
      %mul3A_641 = arith.muli %sub3A_591, %mul3A_640 : i32
      %add3A_642 = arith.constant 3 : i32
      %add3A_643 = arith.addi %mul3A_641, %add3A_642 : i32
      %mul3A_644 = arith.constant 56 : i32
      %mul3A_645 = arith.muli %add3A_643, %mul3A_644 : i32
      %dma_wait3A_646 = arith.constant 1 : i32
      %dma_wait3A_647 = arith.constant 3 : i32
      %dma_wait3A_648 = arith.constant 0 : i32
      %dma_wait3A_649 = arith.constant 0 : i32
      %dma_wait3A_650 = tpu.memref_slice %arg6[%dma_wait3A_646, %dma_wait3A_647, %dma_wait3A_648, %dma_wait3A_649] : memref<2x8x56x128xf32, #tpu.memory_space<vmem>> -> memref<1x1x50x128xf32, #tpu.memory_space<vmem>>
      %dma_wait3A_651 = tpu.memref_squeeze %dma_wait3A_650 : memref<1x1x50x128xf32, #tpu.memory_space<vmem>> -> memref<50x128xf32, #tpu.memory_space<vmem>>
      %dma_wait3A_652 = tpu.memref_slice %arg5[%mul3A_645] : memref<7168xi32, #tpu.memory_space<vmem>> -> memref<50xi32, #tpu.memory_space<vmem>>
      %dma_wait3A_653 = arith.constant 0 : i32
      %dma_wait3A_654 = arith.constant 0 : i32
      %dma_wait3A_655 = tpu.memref_slice %arg2[%dma_wait3A_653, %dma_wait3A_654] : memref<100000x128xf32, #tpu.memory_space<hbm>> -> memref<100000x128xf32, #tpu.memory_space<hbm>>
      tpu.wait_indirect_dma semaphore(%arg8 : memref<!tpu.dma_semaphore, #tpu.memory_space<semaphore_mem>>) src(%dma_wait3A_655 : memref<100000x128xf32, #tpu.memory_space<hbm>>) dst(%dma_wait3A_651 : memref<50x128xf32, #tpu.memory_space<vmem>>)
      %mul3A_656 = arith.constant 8 : i32
      %mul3A_657 = arith.muli %sub3A_591, %mul3A_656 : i32
      %add3A_658 = arith.constant 4 : i32
      %add3A_659 = arith.addi %mul3A_657, %add3A_658 : i32
      %mul3A_660 = arith.constant 56 : i32
      %mul3A_661 = arith.muli %add3A_659, %mul3A_660 : i32
      %dma_wait3A_662 = arith.constant 1 : i32
      %dma_wait3A_663 = arith.constant 4 : i32
      %dma_wait3A_664 = arith.constant 0 : i32
      %dma_wait3A_665 = arith.constant 0 : i32
      %dma_wait3A_666 = tpu.memref_slice %arg6[%dma_wait3A_662, %dma_wait3A_663, %dma_wait3A_664, %dma_wait3A_665] : memref<2x8x56x128xf32, #tpu.memory_space<vmem>> -> memref<1x1x50x128xf32, #tpu.memory_space<vmem>>
      %dma_wait3A_667 = tpu.memref_squeeze %dma_wait3A_666 : memref<1x1x50x128xf32, #tpu.memory_space<vmem>> -> memref<50x128xf32, #tpu.memory_space<vmem>>
      %dma_wait3A_668 = tpu.memref_slice %arg5[%mul3A_661] : memref<7168xi32, #tpu.memory_space<vmem>> -> memref<50xi32, #tpu.memory_space<vmem>>
      %dma_wait3A_669 = arith.constant 0 : i32
      %dma_wait3A_670 = arith.constant 0 : i32
      %dma_wait3A_671 = tpu.memref_slice %arg2[%dma_wait3A_669, %dma_wait3A_670] : memref<100000x128xf32, #tpu.memory_space<hbm>> -> memref<100000x128xf32, #tpu.memory_space<hbm>>
      tpu.wait_indirect_dma semaphore(%arg8 : memref<!tpu.dma_semaphore, #tpu.memory_space<semaphore_mem>>) src(%dma_wait3A_671 : memref<100000x128xf32, #tpu.memory_space<hbm>>) dst(%dma_wait3A_667 : memref<50x128xf32, #tpu.memory_space<vmem>>)
      %mul3A_672 = arith.constant 8 : i32
      %mul3A_673 = arith.muli %sub3A_591, %mul3A_672 : i32
      %add3A_674 = arith.constant 5 : i32
      %add3A_675 = arith.addi %mul3A_673, %add3A_674 : i32
      %mul3A_676 = arith.constant 56 : i32
      %mul3A_677 = arith.muli %add3A_675, %mul3A_676 : i32
      %dma_wait3A_678 = arith.constant 1 : i32
      %dma_wait3A_679 = arith.constant 5 : i32
      %dma_wait3A_680 = arith.constant 0 : i32
      %dma_wait3A_681 = arith.constant 0 : i32
      %dma_wait3A_682 = tpu.memref_slice %arg6[%dma_wait3A_678, %dma_wait3A_679, %dma_wait3A_680, %dma_wait3A_681] : memref<2x8x56x128xf32, #tpu.memory_space<vmem>> -> memref<1x1x50x128xf32, #tpu.memory_space<vmem>>
      %dma_wait3A_683 = tpu.memref_squeeze %dma_wait3A_682 : memref<1x1x50x128xf32, #tpu.memory_space<vmem>> -> memref<50x128xf32, #tpu.memory_space<vmem>>
      %dma_wait3A_684 = tpu.memref_slice %arg5[%mul3A_677] : memref<7168xi32, #tpu.memory_space<vmem>> -> memref<50xi32, #tpu.memory_space<vmem>>
      %dma_wait3A_685 = arith.constant 0 : i32
      %dma_wait3A_686 = arith.constant 0 : i32
      %dma_wait3A_687 = tpu.memref_slice %arg2[%dma_wait3A_685, %dma_wait3A_686] : memref<100000x128xf32, #tpu.memory_space<hbm>> -> memref<100000x128xf32, #tpu.memory_space<hbm>>
      tpu.wait_indirect_dma semaphore(%arg8 : memref<!tpu.dma_semaphore, #tpu.memory_space<semaphore_mem>>) src(%dma_wait3A_687 : memref<100000x128xf32, #tpu.memory_space<hbm>>) dst(%dma_wait3A_683 : memref<50x128xf32, #tpu.memory_space<vmem>>)
      %mul3A_688 = arith.constant 8 : i32
      %mul3A_689 = arith.muli %sub3A_591, %mul3A_688 : i32
      %add3A_690 = arith.constant 6 : i32
      %add3A_691 = arith.addi %mul3A_689, %add3A_690 : i32
      %mul3A_692 = arith.constant 56 : i32
      %mul3A_693 = arith.muli %add3A_691, %mul3A_692 : i32
      %dma_wait3A_694 = arith.constant 1 : i32
      %dma_wait3A_695 = arith.constant 6 : i32
      %dma_wait3A_696 = arith.constant 0 : i32
      %dma_wait3A_697 = arith.constant 0 : i32
      %dma_wait3A_698 = tpu.memref_slice %arg6[%dma_wait3A_694, %dma_wait3A_695, %dma_wait3A_696, %dma_wait3A_697] : memref<2x8x56x128xf32, #tpu.memory_space<vmem>> -> memref<1x1x50x128xf32, #tpu.memory_space<vmem>>
      %dma_wait3A_699 = tpu.memref_squeeze %dma_wait3A_698 : memref<1x1x50x128xf32, #tpu.memory_space<vmem>> -> memref<50x128xf32, #tpu.memory_space<vmem>>
      %dma_wait3A_700 = tpu.memref_slice %arg5[%mul3A_693] : memref<7168xi32, #tpu.memory_space<vmem>> -> memref<50xi32, #tpu.memory_space<vmem>>
      %dma_wait3A_701 = arith.constant 0 : i32
      %dma_wait3A_702 = arith.constant 0 : i32
      %dma_wait3A_703 = tpu.memref_slice %arg2[%dma_wait3A_701, %dma_wait3A_702] : memref<100000x128xf32, #tpu.memory_space<hbm>> -> memref<100000x128xf32, #tpu.memory_space<hbm>>
      tpu.wait_indirect_dma semaphore(%arg8 : memref<!tpu.dma_semaphore, #tpu.memory_space<semaphore_mem>>) src(%dma_wait3A_703 : memref<100000x128xf32, #tpu.memory_space<hbm>>) dst(%dma_wait3A_699 : memref<50x128xf32, #tpu.memory_space<vmem>>)
      %mul3A_704 = arith.constant 8 : i32
      %mul3A_705 = arith.muli %sub3A_591, %mul3A_704 : i32
      %add3A_706 = arith.constant 7 : i32
      %add3A_707 = arith.addi %mul3A_705, %add3A_706 : i32
      %mul3A_708 = arith.constant 56 : i32
      %mul3A_709 = arith.muli %add3A_707, %mul3A_708 : i32
      %dma_wait3A_710 = arith.constant 1 : i32
      %dma_wait3A_711 = arith.constant 7 : i32
      %dma_wait3A_712 = arith.constant 0 : i32
      %dma_wait3A_713 = arith.constant 0 : i32
      %dma_wait3A_714 = tpu.memref_slice %arg6[%dma_wait3A_710, %dma_wait3A_711, %dma_wait3A_712, %dma_wait3A_713] : memref<2x8x56x128xf32, #tpu.memory_space<vmem>> -> memref<1x1x50x128xf32, #tpu.memory_space<vmem>>
      %dma_wait3A_715 = tpu.memref_squeeze %dma_wait3A_714 : memref<1x1x50x128xf32, #tpu.memory_space<vmem>> -> memref<50x128xf32, #tpu.memory_space<vmem>>
      %dma_wait3A_716 = tpu.memref_slice %arg5[%mul3A_709] : memref<7168xi32, #tpu.memory_space<vmem>> -> memref<50xi32, #tpu.memory_space<vmem>>
      %dma_wait3A_717 = arith.constant 0 : i32
      %dma_wait3A_718 = arith.constant 0 : i32
      %dma_wait3A_719 = tpu.memref_slice %arg2[%dma_wait3A_717, %dma_wait3A_718] : memref<100000x128xf32, #tpu.memory_space<hbm>> -> memref<100000x128xf32, #tpu.memory_space<hbm>>
      tpu.wait_indirect_dma semaphore(%arg8 : memref<!tpu.dma_semaphore, #tpu.memory_space<semaphore_mem>>) src(%dma_wait3A_719 : memref<100000x128xf32, #tpu.memory_space<hbm>>) dst(%dma_wait3A_715 : memref<50x128xf32, #tpu.memory_space<vmem>>)
      %mul3A_720 = arith.constant 8 : i32
      %mul3A_721 = arith.muli %sub3A_591, %mul3A_720 : i32
      %add3A_722 = arith.addi %mul3A_2, %mul3A_721 : i32
      %dma_start3A_723 = arith.constant 1 : i32
      %dma_start3A_724 = arith.constant 0 : i32
      %dma_start3A_725 = arith.constant 0 : i32
      %dma_start3A_726 = arith.constant 0 : i32
      %dma_start3A_727 = tpu.memref_slice %arg6[%dma_start3A_723, %dma_start3A_724, %dma_start3A_725, %dma_start3A_726] : memref<2x8x56x128xf32, #tpu.memory_space<vmem>> -> memref<1x8x50x128xf32, #tpu.memory_space<vmem>>
      %dma_start3A_728 = tpu.memref_squeeze %dma_start3A_727 : memref<1x8x50x128xf32, #tpu.memory_space<vmem>> -> memref<8x50x128xf32, #tpu.memory_space<vmem>>
      %dma_start3A_729 = arith.constant 0 : i32
      %dma_start3A_730 = arith.constant 0 : i32
      %dma_start3A_731 = tpu.memref_slice %arg4[%add3A_722, %dma_start3A_729, %dma_start3A_730] : memref<4096x50x128xf32, #tpu.memory_space<hbm>> -> memref<8x50x128xf32, #tpu.memory_space<hbm>>
      %dma_start3A_732 = arith.constant 0 : i32
      %dma_start3A_733 = arith.constant 0 : i32
      %dma_start3A_734 = tpu.memref_slice %arg4[%add3A_722, %dma_start3A_732, %dma_start3A_733] : memref<4096x50x128xf32, #tpu.memory_space<hbm>> -> memref<8x50x128xf32, #tpu.memory_space<hbm>>
      %dma_start3A_735 = arith.constant 0 : i32
      %dma_start3A_736 = arith.constant 0 : i32
      %dma_start3A_737 = arith.constant 0 : i32
      %dma_start3A_738 = tpu.memref_slice %arg6[%dma_start3A_723, %dma_start3A_735, %dma_start3A_736, %dma_start3A_737] : memref<2x8x56x128xf32, #tpu.memory_space<vmem>> -> memref<1x8x50x128xf32, #tpu.memory_space<vmem>>
      %dma_start3A_739 = tpu.memref_squeeze %dma_start3A_738 : memref<1x8x50x128xf32, #tpu.memory_space<vmem>> -> memref<8x50x128xf32, #tpu.memory_space<vmem>>
      tpu.enqueue_dma source(%dma_start3A_739 : memref<8x50x128xf32, #tpu.memory_space<vmem>>) target(%dma_start3A_734 : memref<8x50x128xf32, #tpu.memory_space<hbm>>) target_semaphore(%arg10 : memref<!tpu.dma_semaphore, #tpu.memory_space<semaphore_mem>>)
      %mul3A_740 = arith.constant 2 : i32
      %mul3A_741 = arith.muli %scan3A_436, %mul3A_740 : i32
      %add3A_742 = arith.constant 1 : i32
      %add3A_743 = arith.addi %mul3A_741, %add3A_742 : i32
      %sub3A_744 = arith.constant 2 : i32
      %sub3A_745 = arith.subi %add3A_743, %sub3A_744 : i32
      %mul3A_746 = arith.constant 8 : i32
      %mul3A_747 = arith.muli %sub3A_745, %mul3A_746 : i32
      %add3A_748 = arith.addi %mul3A_2, %mul3A_747 : i32
      %dma_wait3A_749 = arith.constant 1 : i32
      %dma_wait3A_750 = arith.constant 0 : i32
      %dma_wait3A_751 = arith.constant 0 : i32
      %dma_wait3A_752 = arith.constant 0 : i32
      %dma_wait3A_753 = tpu.memref_slice %arg6[%dma_wait3A_749, %dma_wait3A_750, %dma_wait3A_751, %dma_wait3A_752] : memref<2x8x56x128xf32, #tpu.memory_space<vmem>> -> memref<1x8x50x128xf32, #tpu.memory_space<vmem>>
      %dma_wait3A_754 = tpu.memref_squeeze %dma_wait3A_753 : memref<1x8x50x128xf32, #tpu.memory_space<vmem>> -> memref<8x50x128xf32, #tpu.memory_space<vmem>>
      %dma_wait3A_755 = arith.constant 0 : i32
      %dma_wait3A_756 = arith.constant 0 : i32
      %dma_wait3A_757 = tpu.memref_slice %arg4[%add3A_748, %dma_wait3A_755, %dma_wait3A_756] : memref<4096x50x128xf32, #tpu.memory_space<hbm>> -> memref<8x50x128xf32, #tpu.memory_space<hbm>>
      %dma_wait3A_758 = arith.constant 0 : i32
      %dma_wait3A_759 = arith.constant 0 : i32
      %dma_wait3A_760 = tpu.memref_slice %arg4[%add3A_748, %dma_wait3A_758, %dma_wait3A_759] : memref<4096x50x128xf32, #tpu.memory_space<hbm>> -> memref<8x50x128xf32, #tpu.memory_space<hbm>>
      %dma_wait3A_761 = arith.constant 0 : i32
      %dma_wait3A_762 = arith.constant 0 : i32
      %dma_wait3A_763 = arith.constant 0 : i32
      %dma_wait3A_764 = tpu.memref_slice %arg6[%dma_wait3A_749, %dma_wait3A_761, %dma_wait3A_762, %dma_wait3A_763] : memref<2x8x56x128xf32, #tpu.memory_space<vmem>> -> memref<1x8x50x128xf32, #tpu.memory_space<vmem>>
      %dma_wait3A_765 = tpu.memref_squeeze %dma_wait3A_764 : memref<1x8x50x128xf32, #tpu.memory_space<vmem>> -> memref<8x50x128xf32, #tpu.memory_space<vmem>>
      tpu.wait_dma2 semaphore(%arg10 : memref<!tpu.dma_semaphore, #tpu.memory_space<semaphore_mem>>) src(%dma_wait3A_765 : memref<8x50x128xf32, #tpu.memory_space<vmem>>) dst(%dma_wait3A_760 : memref<8x50x128xf32, #tpu.memory_space<hbm>>)
      %mul3A_766 = arith.constant 8 : i32
      %mul3A_767 = arith.muli %add3A_743, %mul3A_766 : i32
      %add3A_768 = arith.constant 0 : i32
      %add3A_769 = arith.addi %mul3A_767, %add3A_768 : i32
      %mul3A_770 = arith.constant 56 : i32
      %mul3A_771 = arith.muli %add3A_769, %mul3A_770 : i32
      %dma_start3A_772 = arith.constant 1 : i32
      %dma_start3A_773 = arith.constant 0 : i32
      %dma_start3A_774 = arith.constant 0 : i32
      %dma_start3A_775 = arith.constant 0 : i32
      %dma_start3A_776 = tpu.memref_slice %arg6[%dma_start3A_772, %dma_start3A_773, %dma_start3A_774, %dma_start3A_775] : memref<2x8x56x128xf32, #tpu.memory_space<vmem>> -> memref<1x1x50x128xf32, #tpu.memory_space<vmem>>
      %dma_start3A_777 = tpu.memref_squeeze %dma_start3A_776 : memref<1x1x50x128xf32, #tpu.memory_space<vmem>> -> memref<50x128xf32, #tpu.memory_space<vmem>>
      %dma_start3A_778 = tpu.memref_slice %arg5[%mul3A_771] : memref<7168xi32, #tpu.memory_space<vmem>> -> memref<50xi32, #tpu.memory_space<vmem>>
      %dma_start3A_779 = arith.constant 0 : i32
      %dma_start3A_780 = arith.constant 0 : i32
      %dma_start3A_781 = tpu.memref_slice %arg2[%dma_start3A_779, %dma_start3A_780] : memref<100000x128xf32, #tpu.memory_space<hbm>> -> memref<100000x128xf32, #tpu.memory_space<hbm>>
      tpu.enqueue_indirect_dma source(%dma_start3A_781 : memref<100000x128xf32, #tpu.memory_space<hbm>>) target(%dma_start3A_777 : memref<50x128xf32, #tpu.memory_space<vmem>>) offsets(%dma_start3A_778 : memref<50xi32, #tpu.memory_space<vmem>>) semaphore(%arg8 : memref<!tpu.dma_semaphore, #tpu.memory_space<semaphore_mem>>)
      %mul3A_782 = arith.constant 8 : i32
      %mul3A_783 = arith.muli %add3A_743, %mul3A_782 : i32
      %add3A_784 = arith.constant 1 : i32
      %add3A_785 = arith.addi %mul3A_783, %add3A_784 : i32
      %mul3A_786 = arith.constant 56 : i32
      %mul3A_787 = arith.muli %add3A_785, %mul3A_786 : i32
      %dma_start3A_788 = arith.constant 1 : i32
      %dma_start3A_789 = arith.constant 1 : i32
      %dma_start3A_790 = arith.constant 0 : i32
      %dma_start3A_791 = arith.constant 0 : i32
      %dma_start3A_792 = tpu.memref_slice %arg6[%dma_start3A_788, %dma_start3A_789, %dma_start3A_790, %dma_start3A_791] : memref<2x8x56x128xf32, #tpu.memory_space<vmem>> -> memref<1x1x50x128xf32, #tpu.memory_space<vmem>>
      %dma_start3A_793 = tpu.memref_squeeze %dma_start3A_792 : memref<1x1x50x128xf32, #tpu.memory_space<vmem>> -> memref<50x128xf32, #tpu.memory_space<vmem>>
      %dma_start3A_794 = tpu.memref_slice %arg5[%mul3A_787] : memref<7168xi32, #tpu.memory_space<vmem>> -> memref<50xi32, #tpu.memory_space<vmem>>
      %dma_start3A_795 = arith.constant 0 : i32
      %dma_start3A_796 = arith.constant 0 : i32
      %dma_start3A_797 = tpu.memref_slice %arg2[%dma_start3A_795, %dma_start3A_796] : memref<100000x128xf32, #tpu.memory_space<hbm>> -> memref<100000x128xf32, #tpu.memory_space<hbm>>
      tpu.enqueue_indirect_dma source(%dma_start3A_797 : memref<100000x128xf32, #tpu.memory_space<hbm>>) target(%dma_start3A_793 : memref<50x128xf32, #tpu.memory_space<vmem>>) offsets(%dma_start3A_794 : memref<50xi32, #tpu.memory_space<vmem>>) semaphore(%arg8 : memref<!tpu.dma_semaphore, #tpu.memory_space<semaphore_mem>>)
      %mul3A_798 = arith.constant 8 : i32
      %mul3A_799 = arith.muli %add3A_743, %mul3A_798 : i32
      %add3A_800 = arith.constant 2 : i32
      %add3A_801 = arith.addi %mul3A_799, %add3A_800 : i32
      %mul3A_802 = arith.constant 56 : i32
      %mul3A_803 = arith.muli %add3A_801, %mul3A_802 : i32
      %dma_start3A_804 = arith.constant 1 : i32
      %dma_start3A_805 = arith.constant 2 : i32
      %dma_start3A_806 = arith.constant 0 : i32
      %dma_start3A_807 = arith.constant 0 : i32
      %dma_start3A_808 = tpu.memref_slice %arg6[%dma_start3A_804, %dma_start3A_805, %dma_start3A_806, %dma_start3A_807] : memref<2x8x56x128xf32, #tpu.memory_space<vmem>> -> memref<1x1x50x128xf32, #tpu.memory_space<vmem>>
      %dma_start3A_809 = tpu.memref_squeeze %dma_start3A_808 : memref<1x1x50x128xf32, #tpu.memory_space<vmem>> -> memref<50x128xf32, #tpu.memory_space<vmem>>
      %dma_start3A_810 = tpu.memref_slice %arg5[%mul3A_803] : memref<7168xi32, #tpu.memory_space<vmem>> -> memref<50xi32, #tpu.memory_space<vmem>>
      %dma_start3A_811 = arith.constant 0 : i32
      %dma_start3A_812 = arith.constant 0 : i32
      %dma_start3A_813 = tpu.memref_slice %arg2[%dma_start3A_811, %dma_start3A_812] : memref<100000x128xf32, #tpu.memory_space<hbm>> -> memref<100000x128xf32, #tpu.memory_space<hbm>>
      tpu.enqueue_indirect_dma source(%dma_start3A_813 : memref<100000x128xf32, #tpu.memory_space<hbm>>) target(%dma_start3A_809 : memref<50x128xf32, #tpu.memory_space<vmem>>) offsets(%dma_start3A_810 : memref<50xi32, #tpu.memory_space<vmem>>) semaphore(%arg8 : memref<!tpu.dma_semaphore, #tpu.memory_space<semaphore_mem>>)
      %mul3A_814 = arith.constant 8 : i32
      %mul3A_815 = arith.muli %add3A_743, %mul3A_814 : i32
      %add3A_816 = arith.constant 3 : i32
      %add3A_817 = arith.addi %mul3A_815, %add3A_816 : i32
      %mul3A_818 = arith.constant 56 : i32
      %mul3A_819 = arith.muli %add3A_817, %mul3A_818 : i32
      %dma_start3A_820 = arith.constant 1 : i32
      %dma_start3A_821 = arith.constant 3 : i32
      %dma_start3A_822 = arith.constant 0 : i32
      %dma_start3A_823 = arith.constant 0 : i32
      %dma_start3A_824 = tpu.memref_slice %arg6[%dma_start3A_820, %dma_start3A_821, %dma_start3A_822, %dma_start3A_823] : memref<2x8x56x128xf32, #tpu.memory_space<vmem>> -> memref<1x1x50x128xf32, #tpu.memory_space<vmem>>
      %dma_start3A_825 = tpu.memref_squeeze %dma_start3A_824 : memref<1x1x50x128xf32, #tpu.memory_space<vmem>> -> memref<50x128xf32, #tpu.memory_space<vmem>>
      %dma_start3A_826 = tpu.memref_slice %arg5[%mul3A_819] : memref<7168xi32, #tpu.memory_space<vmem>> -> memref<50xi32, #tpu.memory_space<vmem>>
      %dma_start3A_827 = arith.constant 0 : i32
      %dma_start3A_828 = arith.constant 0 : i32
      %dma_start3A_829 = tpu.memref_slice %arg2[%dma_start3A_827, %dma_start3A_828] : memref<100000x128xf32, #tpu.memory_space<hbm>> -> memref<100000x128xf32, #tpu.memory_space<hbm>>
      tpu.enqueue_indirect_dma source(%dma_start3A_829 : memref<100000x128xf32, #tpu.memory_space<hbm>>) target(%dma_start3A_825 : memref<50x128xf32, #tpu.memory_space<vmem>>) offsets(%dma_start3A_826 : memref<50xi32, #tpu.memory_space<vmem>>) semaphore(%arg8 : memref<!tpu.dma_semaphore, #tpu.memory_space<semaphore_mem>>)
      %mul3A_830 = arith.constant 8 : i32
      %mul3A_831 = arith.muli %add3A_743, %mul3A_830 : i32
      %add3A_832 = arith.constant 4 : i32
      %add3A_833 = arith.addi %mul3A_831, %add3A_832 : i32
      %mul3A_834 = arith.constant 56 : i32
      %mul3A_835 = arith.muli %add3A_833, %mul3A_834 : i32
      %dma_start3A_836 = arith.constant 1 : i32
      %dma_start3A_837 = arith.constant 4 : i32
      %dma_start3A_838 = arith.constant 0 : i32
      %dma_start3A_839 = arith.constant 0 : i32
      %dma_start3A_840 = tpu.memref_slice %arg6[%dma_start3A_836, %dma_start3A_837, %dma_start3A_838, %dma_start3A_839] : memref<2x8x56x128xf32, #tpu.memory_space<vmem>> -> memref<1x1x50x128xf32, #tpu.memory_space<vmem>>
      %dma_start3A_841 = tpu.memref_squeeze %dma_start3A_840 : memref<1x1x50x128xf32, #tpu.memory_space<vmem>> -> memref<50x128xf32, #tpu.memory_space<vmem>>
      %dma_start3A_842 = tpu.memref_slice %arg5[%mul3A_835] : memref<7168xi32, #tpu.memory_space<vmem>> -> memref<50xi32, #tpu.memory_space<vmem>>
      %dma_start3A_843 = arith.constant 0 : i32
      %dma_start3A_844 = arith.constant 0 : i32
      %dma_start3A_845 = tpu.memref_slice %arg2[%dma_start3A_843, %dma_start3A_844] : memref<100000x128xf32, #tpu.memory_space<hbm>> -> memref<100000x128xf32, #tpu.memory_space<hbm>>
      tpu.enqueue_indirect_dma source(%dma_start3A_845 : memref<100000x128xf32, #tpu.memory_space<hbm>>) target(%dma_start3A_841 : memref<50x128xf32, #tpu.memory_space<vmem>>) offsets(%dma_start3A_842 : memref<50xi32, #tpu.memory_space<vmem>>) semaphore(%arg8 : memref<!tpu.dma_semaphore, #tpu.memory_space<semaphore_mem>>)
      %mul3A_846 = arith.constant 8 : i32
      %mul3A_847 = arith.muli %add3A_743, %mul3A_846 : i32
      %add3A_848 = arith.constant 5 : i32
      %add3A_849 = arith.addi %mul3A_847, %add3A_848 : i32
      %mul3A_850 = arith.constant 56 : i32
      %mul3A_851 = arith.muli %add3A_849, %mul3A_850 : i32
      %dma_start3A_852 = arith.constant 1 : i32
      %dma_start3A_853 = arith.constant 5 : i32
      %dma_start3A_854 = arith.constant 0 : i32
      %dma_start3A_855 = arith.constant 0 : i32
      %dma_start3A_856 = tpu.memref_slice %arg6[%dma_start3A_852, %dma_start3A_853, %dma_start3A_854, %dma_start3A_855] : memref<2x8x56x128xf32, #tpu.memory_space<vmem>> -> memref<1x1x50x128xf32, #tpu.memory_space<vmem>>
      %dma_start3A_857 = tpu.memref_squeeze %dma_start3A_856 : memref<1x1x50x128xf32, #tpu.memory_space<vmem>> -> memref<50x128xf32, #tpu.memory_space<vmem>>
      %dma_start3A_858 = tpu.memref_slice %arg5[%mul3A_851] : memref<7168xi32, #tpu.memory_space<vmem>> -> memref<50xi32, #tpu.memory_space<vmem>>
      %dma_start3A_859 = arith.constant 0 : i32
      %dma_start3A_860 = arith.constant 0 : i32
      %dma_start3A_861 = tpu.memref_slice %arg2[%dma_start3A_859, %dma_start3A_860] : memref<100000x128xf32, #tpu.memory_space<hbm>> -> memref<100000x128xf32, #tpu.memory_space<hbm>>
      tpu.enqueue_indirect_dma source(%dma_start3A_861 : memref<100000x128xf32, #tpu.memory_space<hbm>>) target(%dma_start3A_857 : memref<50x128xf32, #tpu.memory_space<vmem>>) offsets(%dma_start3A_858 : memref<50xi32, #tpu.memory_space<vmem>>) semaphore(%arg8 : memref<!tpu.dma_semaphore, #tpu.memory_space<semaphore_mem>>)
      %mul3A_862 = arith.constant 8 : i32
      %mul3A_863 = arith.muli %add3A_743, %mul3A_862 : i32
      %add3A_864 = arith.constant 6 : i32
      %add3A_865 = arith.addi %mul3A_863, %add3A_864 : i32
      %mul3A_866 = arith.constant 56 : i32
      %mul3A_867 = arith.muli %add3A_865, %mul3A_866 : i32
      %dma_start3A_868 = arith.constant 1 : i32
      %dma_start3A_869 = arith.constant 6 : i32
      %dma_start3A_870 = arith.constant 0 : i32
      %dma_start3A_871 = arith.constant 0 : i32
      %dma_start3A_872 = tpu.memref_slice %arg6[%dma_start3A_868, %dma_start3A_869, %dma_start3A_870, %dma_start3A_871] : memref<2x8x56x128xf32, #tpu.memory_space<vmem>> -> memref<1x1x50x128xf32, #tpu.memory_space<vmem>>
      %dma_start3A_873 = tpu.memref_squeeze %dma_start3A_872 : memref<1x1x50x128xf32, #tpu.memory_space<vmem>> -> memref<50x128xf32, #tpu.memory_space<vmem>>
      %dma_start3A_874 = tpu.memref_slice %arg5[%mul3A_867] : memref<7168xi32, #tpu.memory_space<vmem>> -> memref<50xi32, #tpu.memory_space<vmem>>
      %dma_start3A_875 = arith.constant 0 : i32
      %dma_start3A_876 = arith.constant 0 : i32
      %dma_start3A_877 = tpu.memref_slice %arg2[%dma_start3A_875, %dma_start3A_876] : memref<100000x128xf32, #tpu.memory_space<hbm>> -> memref<100000x128xf32, #tpu.memory_space<hbm>>
      tpu.enqueue_indirect_dma source(%dma_start3A_877 : memref<100000x128xf32, #tpu.memory_space<hbm>>) target(%dma_start3A_873 : memref<50x128xf32, #tpu.memory_space<vmem>>) offsets(%dma_start3A_874 : memref<50xi32, #tpu.memory_space<vmem>>) semaphore(%arg8 : memref<!tpu.dma_semaphore, #tpu.memory_space<semaphore_mem>>)
      %mul3A_878 = arith.constant 8 : i32
      %mul3A_879 = arith.muli %add3A_743, %mul3A_878 : i32
      %add3A_880 = arith.constant 7 : i32
      %add3A_881 = arith.addi %mul3A_879, %add3A_880 : i32
      %mul3A_882 = arith.constant 56 : i32
      %mul3A_883 = arith.muli %add3A_881, %mul3A_882 : i32
      %dma_start3A_884 = arith.constant 1 : i32
      %dma_start3A_885 = arith.constant 7 : i32
      %dma_start3A_886 = arith.constant 0 : i32
      %dma_start3A_887 = arith.constant 0 : i32
      %dma_start3A_888 = tpu.memref_slice %arg6[%dma_start3A_884, %dma_start3A_885, %dma_start3A_886, %dma_start3A_887] : memref<2x8x56x128xf32, #tpu.memory_space<vmem>> -> memref<1x1x50x128xf32, #tpu.memory_space<vmem>>
      %dma_start3A_889 = tpu.memref_squeeze %dma_start3A_888 : memref<1x1x50x128xf32, #tpu.memory_space<vmem>> -> memref<50x128xf32, #tpu.memory_space<vmem>>
      %dma_start3A_890 = tpu.memref_slice %arg5[%mul3A_883] : memref<7168xi32, #tpu.memory_space<vmem>> -> memref<50xi32, #tpu.memory_space<vmem>>
      %dma_start3A_891 = arith.constant 0 : i32
      %dma_start3A_892 = arith.constant 0 : i32
      %dma_start3A_893 = tpu.memref_slice %arg2[%dma_start3A_891, %dma_start3A_892] : memref<100000x128xf32, #tpu.memory_space<hbm>> -> memref<100000x128xf32, #tpu.memory_space<hbm>>
      tpu.enqueue_indirect_dma source(%dma_start3A_893 : memref<100000x128xf32, #tpu.memory_space<hbm>>) target(%dma_start3A_889 : memref<50x128xf32, #tpu.memory_space<vmem>>) offsets(%dma_start3A_890 : memref<50xi32, #tpu.memory_space<vmem>>) semaphore(%arg8 : memref<!tpu.dma_semaphore, #tpu.memory_space<semaphore_mem>>)
      %sub3A_894 = arith.constant 1 : i32
      %sub3A_895 = arith.subi %add3A_743, %sub3A_894 : i32
      %mul3A_896 = arith.constant 8 : i32
      %mul3A_897 = arith.muli %sub3A_895, %mul3A_896 : i32
      %add3A_898 = arith.constant 0 : i32
      %add3A_899 = arith.addi %mul3A_897, %add3A_898 : i32
      %mul3A_900 = arith.constant 56 : i32
      %mul3A_901 = arith.muli %add3A_899, %mul3A_900 : i32
      %dma_wait3A_902 = arith.constant 0 : i32
      %dma_wait3A_903 = arith.constant 0 : i32
      %dma_wait3A_904 = arith.constant 0 : i32
      %dma_wait3A_905 = arith.constant 0 : i32
      %dma_wait3A_906 = tpu.memref_slice %arg6[%dma_wait3A_902, %dma_wait3A_903, %dma_wait3A_904, %dma_wait3A_905] : memref<2x8x56x128xf32, #tpu.memory_space<vmem>> -> memref<1x1x50x128xf32, #tpu.memory_space<vmem>>
      %dma_wait3A_907 = tpu.memref_squeeze %dma_wait3A_906 : memref<1x1x50x128xf32, #tpu.memory_space<vmem>> -> memref<50x128xf32, #tpu.memory_space<vmem>>
      %dma_wait3A_908 = tpu.memref_slice %arg5[%mul3A_901] : memref<7168xi32, #tpu.memory_space<vmem>> -> memref<50xi32, #tpu.memory_space<vmem>>
      %dma_wait3A_909 = arith.constant 0 : i32
      %dma_wait3A_910 = arith.constant 0 : i32
      %dma_wait3A_911 = tpu.memref_slice %arg2[%dma_wait3A_909, %dma_wait3A_910] : memref<100000x128xf32, #tpu.memory_space<hbm>> -> memref<100000x128xf32, #tpu.memory_space<hbm>>
      tpu.wait_indirect_dma semaphore(%arg7 : memref<!tpu.dma_semaphore, #tpu.memory_space<semaphore_mem>>) src(%dma_wait3A_911 : memref<100000x128xf32, #tpu.memory_space<hbm>>) dst(%dma_wait3A_907 : memref<50x128xf32, #tpu.memory_space<vmem>>)
      %mul3A_912 = arith.constant 8 : i32
      %mul3A_913 = arith.muli %sub3A_895, %mul3A_912 : i32
      %add3A_914 = arith.constant 1 : i32
      %add3A_915 = arith.addi %mul3A_913, %add3A_914 : i32
      %mul3A_916 = arith.constant 56 : i32
      %mul3A_917 = arith.muli %add3A_915, %mul3A_916 : i32
      %dma_wait3A_918 = arith.constant 0 : i32
      %dma_wait3A_919 = arith.constant 1 : i32
      %dma_wait3A_920 = arith.constant 0 : i32
      %dma_wait3A_921 = arith.constant 0 : i32
      %dma_wait3A_922 = tpu.memref_slice %arg6[%dma_wait3A_918, %dma_wait3A_919, %dma_wait3A_920, %dma_wait3A_921] : memref<2x8x56x128xf32, #tpu.memory_space<vmem>> -> memref<1x1x50x128xf32, #tpu.memory_space<vmem>>
      %dma_wait3A_923 = tpu.memref_squeeze %dma_wait3A_922 : memref<1x1x50x128xf32, #tpu.memory_space<vmem>> -> memref<50x128xf32, #tpu.memory_space<vmem>>
      %dma_wait3A_924 = tpu.memref_slice %arg5[%mul3A_917] : memref<7168xi32, #tpu.memory_space<vmem>> -> memref<50xi32, #tpu.memory_space<vmem>>
      %dma_wait3A_925 = arith.constant 0 : i32
      %dma_wait3A_926 = arith.constant 0 : i32
      %dma_wait3A_927 = tpu.memref_slice %arg2[%dma_wait3A_925, %dma_wait3A_926] : memref<100000x128xf32, #tpu.memory_space<hbm>> -> memref<100000x128xf32, #tpu.memory_space<hbm>>
      tpu.wait_indirect_dma semaphore(%arg7 : memref<!tpu.dma_semaphore, #tpu.memory_space<semaphore_mem>>) src(%dma_wait3A_927 : memref<100000x128xf32, #tpu.memory_space<hbm>>) dst(%dma_wait3A_923 : memref<50x128xf32, #tpu.memory_space<vmem>>)
      %mul3A_928 = arith.constant 8 : i32
      %mul3A_929 = arith.muli %sub3A_895, %mul3A_928 : i32
      %add3A_930 = arith.constant 2 : i32
      %add3A_931 = arith.addi %mul3A_929, %add3A_930 : i32
      %mul3A_932 = arith.constant 56 : i32
      %mul3A_933 = arith.muli %add3A_931, %mul3A_932 : i32
      %dma_wait3A_934 = arith.constant 0 : i32
      %dma_wait3A_935 = arith.constant 2 : i32
      %dma_wait3A_936 = arith.constant 0 : i32
      %dma_wait3A_937 = arith.constant 0 : i32
      %dma_wait3A_938 = tpu.memref_slice %arg6[%dma_wait3A_934, %dma_wait3A_935, %dma_wait3A_936, %dma_wait3A_937] : memref<2x8x56x128xf32, #tpu.memory_space<vmem>> -> memref<1x1x50x128xf32, #tpu.memory_space<vmem>>
      %dma_wait3A_939 = tpu.memref_squeeze %dma_wait3A_938 : memref<1x1x50x128xf32, #tpu.memory_space<vmem>> -> memref<50x128xf32, #tpu.memory_space<vmem>>
      %dma_wait3A_940 = tpu.memref_slice %arg5[%mul3A_933] : memref<7168xi32, #tpu.memory_space<vmem>> -> memref<50xi32, #tpu.memory_space<vmem>>
      %dma_wait3A_941 = arith.constant 0 : i32
      %dma_wait3A_942 = arith.constant 0 : i32
      %dma_wait3A_943 = tpu.memref_slice %arg2[%dma_wait3A_941, %dma_wait3A_942] : memref<100000x128xf32, #tpu.memory_space<hbm>> -> memref<100000x128xf32, #tpu.memory_space<hbm>>
      tpu.wait_indirect_dma semaphore(%arg7 : memref<!tpu.dma_semaphore, #tpu.memory_space<semaphore_mem>>) src(%dma_wait3A_943 : memref<100000x128xf32, #tpu.memory_space<hbm>>) dst(%dma_wait3A_939 : memref<50x128xf32, #tpu.memory_space<vmem>>)
      %mul3A_944 = arith.constant 8 : i32
      %mul3A_945 = arith.muli %sub3A_895, %mul3A_944 : i32
      %add3A_946 = arith.constant 3 : i32
      %add3A_947 = arith.addi %mul3A_945, %add3A_946 : i32
      %mul3A_948 = arith.constant 56 : i32
      %mul3A_949 = arith.muli %add3A_947, %mul3A_948 : i32
      %dma_wait3A_950 = arith.constant 0 : i32
      %dma_wait3A_951 = arith.constant 3 : i32
      %dma_wait3A_952 = arith.constant 0 : i32
      %dma_wait3A_953 = arith.constant 0 : i32
      %dma_wait3A_954 = tpu.memref_slice %arg6[%dma_wait3A_950, %dma_wait3A_951, %dma_wait3A_952, %dma_wait3A_953] : memref<2x8x56x128xf32, #tpu.memory_space<vmem>> -> memref<1x1x50x128xf32, #tpu.memory_space<vmem>>
      %dma_wait3A_955 = tpu.memref_squeeze %dma_wait3A_954 : memref<1x1x50x128xf32, #tpu.memory_space<vmem>> -> memref<50x128xf32, #tpu.memory_space<vmem>>
      %dma_wait3A_956 = tpu.memref_slice %arg5[%mul3A_949] : memref<7168xi32, #tpu.memory_space<vmem>> -> memref<50xi32, #tpu.memory_space<vmem>>
      %dma_wait3A_957 = arith.constant 0 : i32
      %dma_wait3A_958 = arith.constant 0 : i32
      %dma_wait3A_959 = tpu.memref_slice %arg2[%dma_wait3A_957, %dma_wait3A_958] : memref<100000x128xf32, #tpu.memory_space<hbm>> -> memref<100000x128xf32, #tpu.memory_space<hbm>>
      tpu.wait_indirect_dma semaphore(%arg7 : memref<!tpu.dma_semaphore, #tpu.memory_space<semaphore_mem>>) src(%dma_wait3A_959 : memref<100000x128xf32, #tpu.memory_space<hbm>>) dst(%dma_wait3A_955 : memref<50x128xf32, #tpu.memory_space<vmem>>)
      %mul3A_960 = arith.constant 8 : i32
      %mul3A_961 = arith.muli %sub3A_895, %mul3A_960 : i32
      %add3A_962 = arith.constant 4 : i32
      %add3A_963 = arith.addi %mul3A_961, %add3A_962 : i32
      %mul3A_964 = arith.constant 56 : i32
      %mul3A_965 = arith.muli %add3A_963, %mul3A_964 : i32
      %dma_wait3A_966 = arith.constant 0 : i32
      %dma_wait3A_967 = arith.constant 4 : i32
      %dma_wait3A_968 = arith.constant 0 : i32
      %dma_wait3A_969 = arith.constant 0 : i32
      %dma_wait3A_970 = tpu.memref_slice %arg6[%dma_wait3A_966, %dma_wait3A_967, %dma_wait3A_968, %dma_wait3A_969] : memref<2x8x56x128xf32, #tpu.memory_space<vmem>> -> memref<1x1x50x128xf32, #tpu.memory_space<vmem>>
      %dma_wait3A_971 = tpu.memref_squeeze %dma_wait3A_970 : memref<1x1x50x128xf32, #tpu.memory_space<vmem>> -> memref<50x128xf32, #tpu.memory_space<vmem>>
      %dma_wait3A_972 = tpu.memref_slice %arg5[%mul3A_965] : memref<7168xi32, #tpu.memory_space<vmem>> -> memref<50xi32, #tpu.memory_space<vmem>>
      %dma_wait3A_973 = arith.constant 0 : i32
      %dma_wait3A_974 = arith.constant 0 : i32
      %dma_wait3A_975 = tpu.memref_slice %arg2[%dma_wait3A_973, %dma_wait3A_974] : memref<100000x128xf32, #tpu.memory_space<hbm>> -> memref<100000x128xf32, #tpu.memory_space<hbm>>
      tpu.wait_indirect_dma semaphore(%arg7 : memref<!tpu.dma_semaphore, #tpu.memory_space<semaphore_mem>>) src(%dma_wait3A_975 : memref<100000x128xf32, #tpu.memory_space<hbm>>) dst(%dma_wait3A_971 : memref<50x128xf32, #tpu.memory_space<vmem>>)
      %mul3A_976 = arith.constant 8 : i32
      %mul3A_977 = arith.muli %sub3A_895, %mul3A_976 : i32
      %add3A_978 = arith.constant 5 : i32
      %add3A_979 = arith.addi %mul3A_977, %add3A_978 : i32
      %mul3A_980 = arith.constant 56 : i32
      %mul3A_981 = arith.muli %add3A_979, %mul3A_980 : i32
      %dma_wait3A_982 = arith.constant 0 : i32
      %dma_wait3A_983 = arith.constant 5 : i32
      %dma_wait3A_984 = arith.constant 0 : i32
      %dma_wait3A_985 = arith.constant 0 : i32
      %dma_wait3A_986 = tpu.memref_slice %arg6[%dma_wait3A_982, %dma_wait3A_983, %dma_wait3A_984, %dma_wait3A_985] : memref<2x8x56x128xf32, #tpu.memory_space<vmem>> -> memref<1x1x50x128xf32, #tpu.memory_space<vmem>>
      %dma_wait3A_987 = tpu.memref_squeeze %dma_wait3A_986 : memref<1x1x50x128xf32, #tpu.memory_space<vmem>> -> memref<50x128xf32, #tpu.memory_space<vmem>>
      %dma_wait3A_988 = tpu.memref_slice %arg5[%mul3A_981] : memref<7168xi32, #tpu.memory_space<vmem>> -> memref<50xi32, #tpu.memory_space<vmem>>
      %dma_wait3A_989 = arith.constant 0 : i32
      %dma_wait3A_990 = arith.constant 0 : i32
      %dma_wait3A_991 = tpu.memref_slice %arg2[%dma_wait3A_989, %dma_wait3A_990] : memref<100000x128xf32, #tpu.memory_space<hbm>> -> memref<100000x128xf32, #tpu.memory_space<hbm>>
      tpu.wait_indirect_dma semaphore(%arg7 : memref<!tpu.dma_semaphore, #tpu.memory_space<semaphore_mem>>) src(%dma_wait3A_991 : memref<100000x128xf32, #tpu.memory_space<hbm>>) dst(%dma_wait3A_987 : memref<50x128xf32, #tpu.memory_space<vmem>>)
      %mul3A_992 = arith.constant 8 : i32
      %mul3A_993 = arith.muli %sub3A_895, %mul3A_992 : i32
      %add3A_994 = arith.constant 6 : i32
      %add3A_995 = arith.addi %mul3A_993, %add3A_994 : i32
      %mul3A_996 = arith.constant 56 : i32
      %mul3A_997 = arith.muli %add3A_995, %mul3A_996 : i32
      %dma_wait3A_998 = arith.constant 0 : i32
      %dma_wait3A_999 = arith.constant 6 : i32
      %dma_wait3A_1000 = arith.constant 0 : i32
      %dma_wait3A_1001 = arith.constant 0 : i32
      %dma_wait3A_1002 = tpu.memref_slice %arg6[%dma_wait3A_998, %dma_wait3A_999, %dma_wait3A_1000, %dma_wait3A_1001] : memref<2x8x56x128xf32, #tpu.memory_space<vmem>> -> memref<1x1x50x128xf32, #tpu.memory_space<vmem>>
      %dma_wait3A_1003 = tpu.memref_squeeze %dma_wait3A_1002 : memref<1x1x50x128xf32, #tpu.memory_space<vmem>> -> memref<50x128xf32, #tpu.memory_space<vmem>>
      %dma_wait3A_1004 = tpu.memref_slice %arg5[%mul3A_997] : memref<7168xi32, #tpu.memory_space<vmem>> -> memref<50xi32, #tpu.memory_space<vmem>>
      %dma_wait3A_1005 = arith.constant 0 : i32
      %dma_wait3A_1006 = arith.constant 0 : i32
      %dma_wait3A_1007 = tpu.memref_slice %arg2[%dma_wait3A_1005, %dma_wait3A_1006] : memref<100000x128xf32, #tpu.memory_space<hbm>> -> memref<100000x128xf32, #tpu.memory_space<hbm>>
      tpu.wait_indirect_dma semaphore(%arg7 : memref<!tpu.dma_semaphore, #tpu.memory_space<semaphore_mem>>) src(%dma_wait3A_1007 : memref<100000x128xf32, #tpu.memory_space<hbm>>) dst(%dma_wait3A_1003 : memref<50x128xf32, #tpu.memory_space<vmem>>)
      %mul3A_1008 = arith.constant 8 : i32
      %mul3A_1009 = arith.muli %sub3A_895, %mul3A_1008 : i32
      %add3A_1010 = arith.constant 7 : i32
      %add3A_1011 = arith.addi %mul3A_1009, %add3A_1010 : i32
      %mul3A_1012 = arith.constant 56 : i32
      %mul3A_1013 = arith.muli %add3A_1011, %mul3A_1012 : i32
      %dma_wait3A_1014 = arith.constant 0 : i32
      %dma_wait3A_1015 = arith.constant 7 : i32
      %dma_wait3A_1016 = arith.constant 0 : i32
      %dma_wait3A_1017 = arith.constant 0 : i32
      %dma_wait3A_1018 = tpu.memref_slice %arg6[%dma_wait3A_1014, %dma_wait3A_1015, %dma_wait3A_1016, %dma_wait3A_1017] : memref<2x8x56x128xf32, #tpu.memory_space<vmem>> -> memref<1x1x50x128xf32, #tpu.memory_space<vmem>>
      %dma_wait3A_1019 = tpu.memref_squeeze %dma_wait3A_1018 : memref<1x1x50x128xf32, #tpu.memory_space<vmem>> -> memref<50x128xf32, #tpu.memory_space<vmem>>
      %dma_wait3A_1020 = tpu.memref_slice %arg5[%mul3A_1013] : memref<7168xi32, #tpu.memory_space<vmem>> -> memref<50xi32, #tpu.memory_space<vmem>>
      %dma_wait3A_1021 = arith.constant 0 : i32
      %dma_wait3A_1022 = arith.constant 0 : i32
      %dma_wait3A_1023 = tpu.memref_slice %arg2[%dma_wait3A_1021, %dma_wait3A_1022] : memref<100000x128xf32, #tpu.memory_space<hbm>> -> memref<100000x128xf32, #tpu.memory_space<hbm>>
      tpu.wait_indirect_dma semaphore(%arg7 : memref<!tpu.dma_semaphore, #tpu.memory_space<semaphore_mem>>) src(%dma_wait3A_1023 : memref<100000x128xf32, #tpu.memory_space<hbm>>) dst(%dma_wait3A_1019 : memref<50x128xf32, #tpu.memory_space<vmem>>)
      %mul3A_1024 = arith.constant 8 : i32
      %mul3A_1025 = arith.muli %sub3A_895, %mul3A_1024 : i32
      %add3A_1026 = arith.addi %mul3A_2, %mul3A_1025 : i32
      %dma_start3A_1027 = arith.constant 0 : i32
      %dma_start3A_1028 = arith.constant 0 : i32
      %dma_start3A_1029 = arith.constant 0 : i32
      %dma_start3A_1030 = arith.constant 0 : i32
      %dma_start3A_1031 = tpu.memref_slice %arg6[%dma_start3A_1027, %dma_start3A_1028, %dma_start3A_1029, %dma_start3A_1030] : memref<2x8x56x128xf32, #tpu.memory_space<vmem>> -> memref<1x8x50x128xf32, #tpu.memory_space<vmem>>
      %dma_start3A_1032 = tpu.memref_squeeze %dma_start3A_1031 : memref<1x8x50x128xf32, #tpu.memory_space<vmem>> -> memref<8x50x128xf32, #tpu.memory_space<vmem>>
      %dma_start3A_1033 = arith.constant 0 : i32
      %dma_start3A_1034 = arith.constant 0 : i32
      %dma_start3A_1035 = tpu.memref_slice %arg4[%add3A_1026, %dma_start3A_1033, %dma_start3A_1034] : memref<4096x50x128xf32, #tpu.memory_space<hbm>> -> memref<8x50x128xf32, #tpu.memory_space<hbm>>
      %dma_start3A_1036 = arith.constant 0 : i32
      %dma_start3A_1037 = arith.constant 0 : i32
      %dma_start3A_1038 = tpu.memref_slice %arg4[%add3A_1026, %dma_start3A_1036, %dma_start3A_1037] : memref<4096x50x128xf32, #tpu.memory_space<hbm>> -> memref<8x50x128xf32, #tpu.memory_space<hbm>>
      %dma_start3A_1039 = arith.constant 0 : i32
      %dma_start3A_1040 = arith.constant 0 : i32
      %dma_start3A_1041 = arith.constant 0 : i32
      %dma_start3A_1042 = tpu.memref_slice %arg6[%dma_start3A_1027, %dma_start3A_1039, %dma_start3A_1040, %dma_start3A_1041] : memref<2x8x56x128xf32, #tpu.memory_space<vmem>> -> memref<1x8x50x128xf32, #tpu.memory_space<vmem>>
      %dma_start3A_1043 = tpu.memref_squeeze %dma_start3A_1042 : memref<1x8x50x128xf32, #tpu.memory_space<vmem>> -> memref<8x50x128xf32, #tpu.memory_space<vmem>>
      tpu.enqueue_dma source(%dma_start3A_1043 : memref<8x50x128xf32, #tpu.memory_space<vmem>>) target(%dma_start3A_1038 : memref<8x50x128xf32, #tpu.memory_space<hbm>>) target_semaphore(%arg9 : memref<!tpu.dma_semaphore, #tpu.memory_space<semaphore_mem>>)
    }
    %scan3A_290 = arith.constant 7 : i32
    %dma_wait3A_291 = arith.constant 1 : i32
    %dma_wait3A_292 = arith.constant 0 : i32
    %dma_wait3A_293 = arith.constant 0 : i32
    %dma_wait3A_294 = arith.constant 0 : i32
    %dma_wait3A_295 = tpu.memref_slice %arg6[%dma_wait3A_291, %dma_wait3A_292, %dma_wait3A_293, %dma_wait3A_294] : memref<2x8x56x128xf32, #tpu.memory_space<vmem>> -> memref<1x1x50x128xf32, #tpu.memory_space<vmem>>
    %dma_wait3A_296 = tpu.memref_squeeze %dma_wait3A_295 : memref<1x1x50x128xf32, #tpu.memory_space<vmem>> -> memref<50x128xf32, #tpu.memory_space<vmem>>
    %dma_wait3A_297 = arith.constant 6720 : i32
    %dma_wait3A_298 = tpu.memref_slice %arg5[%dma_wait3A_297] : memref<7168xi32, #tpu.memory_space<vmem>> -> memref<50xi32, #tpu.memory_space<vmem>>
    %dma_wait3A_299 = arith.constant 0 : i32
    %dma_wait3A_300 = arith.constant 0 : i32
    %dma_wait3A_301 = tpu.memref_slice %arg2[%dma_wait3A_299, %dma_wait3A_300] : memref<100000x128xf32, #tpu.memory_space<hbm>> -> memref<100000x128xf32, #tpu.memory_space<hbm>>
    tpu.wait_indirect_dma semaphore(%arg8 : memref<!tpu.dma_semaphore, #tpu.memory_space<semaphore_mem>>) src(%dma_wait3A_301 : memref<100000x128xf32, #tpu.memory_space<hbm>>) dst(%dma_wait3A_296 : memref<50x128xf32, #tpu.memory_space<vmem>>)
    %dma_wait3A_302 = arith.constant 1 : i32
    %dma_wait3A_303 = arith.constant 1 : i32
    %dma_wait3A_304 = arith.constant 0 : i32
    %dma_wait3A_305 = arith.constant 0 : i32
    %dma_wait3A_306 = tpu.memref_slice %arg6[%dma_wait3A_302, %dma_wait3A_303, %dma_wait3A_304, %dma_wait3A_305] : memref<2x8x56x128xf32, #tpu.memory_space<vmem>> -> memref<1x1x50x128xf32, #tpu.memory_space<vmem>>
    %dma_wait3A_307 = tpu.memref_squeeze %dma_wait3A_306 : memref<1x1x50x128xf32, #tpu.memory_space<vmem>> -> memref<50x128xf32, #tpu.memory_space<vmem>>
    %dma_wait3A_308 = arith.constant 6776 : i32
    %dma_wait3A_309 = tpu.memref_slice %arg5[%dma_wait3A_308] : memref<7168xi32, #tpu.memory_space<vmem>> -> memref<50xi32, #tpu.memory_space<vmem>>
    %dma_wait3A_310 = arith.constant 0 : i32
    %dma_wait3A_311 = arith.constant 0 : i32
    %dma_wait3A_312 = tpu.memref_slice %arg2[%dma_wait3A_310, %dma_wait3A_311] : memref<100000x128xf32, #tpu.memory_space<hbm>> -> memref<100000x128xf32, #tpu.memory_space<hbm>>
    tpu.wait_indirect_dma semaphore(%arg8 : memref<!tpu.dma_semaphore, #tpu.memory_space<semaphore_mem>>) src(%dma_wait3A_312 : memref<100000x128xf32, #tpu.memory_space<hbm>>) dst(%dma_wait3A_307 : memref<50x128xf32, #tpu.memory_space<vmem>>)
    %dma_wait3A_313 = arith.constant 1 : i32
    %dma_wait3A_314 = arith.constant 2 : i32
    %dma_wait3A_315 = arith.constant 0 : i32
    %dma_wait3A_316 = arith.constant 0 : i32
    %dma_wait3A_317 = tpu.memref_slice %arg6[%dma_wait3A_313, %dma_wait3A_314, %dma_wait3A_315, %dma_wait3A_316] : memref<2x8x56x128xf32, #tpu.memory_space<vmem>> -> memref<1x1x50x128xf32, #tpu.memory_space<vmem>>
    %dma_wait3A_318 = tpu.memref_squeeze %dma_wait3A_317 : memref<1x1x50x128xf32, #tpu.memory_space<vmem>> -> memref<50x128xf32, #tpu.memory_space<vmem>>
    %dma_wait3A_319 = arith.constant 6832 : i32
    %dma_wait3A_320 = tpu.memref_slice %arg5[%dma_wait3A_319] : memref<7168xi32, #tpu.memory_space<vmem>> -> memref<50xi32, #tpu.memory_space<vmem>>
    %dma_wait3A_321 = arith.constant 0 : i32
    %dma_wait3A_322 = arith.constant 0 : i32
    %dma_wait3A_323 = tpu.memref_slice %arg2[%dma_wait3A_321, %dma_wait3A_322] : memref<100000x128xf32, #tpu.memory_space<hbm>> -> memref<100000x128xf32, #tpu.memory_space<hbm>>
    tpu.wait_indirect_dma semaphore(%arg8 : memref<!tpu.dma_semaphore, #tpu.memory_space<semaphore_mem>>) src(%dma_wait3A_323 : memref<100000x128xf32, #tpu.memory_space<hbm>>) dst(%dma_wait3A_318 : memref<50x128xf32, #tpu.memory_space<vmem>>)
    %dma_wait3A_324 = arith.constant 1 : i32
    %dma_wait3A_325 = arith.constant 3 : i32
    %dma_wait3A_326 = arith.constant 0 : i32
    %dma_wait3A_327 = arith.constant 0 : i32
    %dma_wait3A_328 = tpu.memref_slice %arg6[%dma_wait3A_324, %dma_wait3A_325, %dma_wait3A_326, %dma_wait3A_327] : memref<2x8x56x128xf32, #tpu.memory_space<vmem>> -> memref<1x1x50x128xf32, #tpu.memory_space<vmem>>
    %dma_wait3A_329 = tpu.memref_squeeze %dma_wait3A_328 : memref<1x1x50x128xf32, #tpu.memory_space<vmem>> -> memref<50x128xf32, #tpu.memory_space<vmem>>
    %dma_wait3A_330 = arith.constant 6888 : i32
    %dma_wait3A_331 = tpu.memref_slice %arg5[%dma_wait3A_330] : memref<7168xi32, #tpu.memory_space<vmem>> -> memref<50xi32, #tpu.memory_space<vmem>>
    %dma_wait3A_332 = arith.constant 0 : i32
    %dma_wait3A_333 = arith.constant 0 : i32
    %dma_wait3A_334 = tpu.memref_slice %arg2[%dma_wait3A_332, %dma_wait3A_333] : memref<100000x128xf32, #tpu.memory_space<hbm>> -> memref<100000x128xf32, #tpu.memory_space<hbm>>
    tpu.wait_indirect_dma semaphore(%arg8 : memref<!tpu.dma_semaphore, #tpu.memory_space<semaphore_mem>>) src(%dma_wait3A_334 : memref<100000x128xf32, #tpu.memory_space<hbm>>) dst(%dma_wait3A_329 : memref<50x128xf32, #tpu.memory_space<vmem>>)
    %dma_wait3A_335 = arith.constant 1 : i32
    %dma_wait3A_336 = arith.constant 4 : i32
    %dma_wait3A_337 = arith.constant 0 : i32
    %dma_wait3A_338 = arith.constant 0 : i32
    %dma_wait3A_339 = tpu.memref_slice %arg6[%dma_wait3A_335, %dma_wait3A_336, %dma_wait3A_337, %dma_wait3A_338] : memref<2x8x56x128xf32, #tpu.memory_space<vmem>> -> memref<1x1x50x128xf32, #tpu.memory_space<vmem>>
    %dma_wait3A_340 = tpu.memref_squeeze %dma_wait3A_339 : memref<1x1x50x128xf32, #tpu.memory_space<vmem>> -> memref<50x128xf32, #tpu.memory_space<vmem>>
    %dma_wait3A_341 = arith.constant 6944 : i32
    %dma_wait3A_342 = tpu.memref_slice %arg5[%dma_wait3A_341] : memref<7168xi32, #tpu.memory_space<vmem>> -> memref<50xi32, #tpu.memory_space<vmem>>
    %dma_wait3A_343 = arith.constant 0 : i32
    %dma_wait3A_344 = arith.constant 0 : i32
    %dma_wait3A_345 = tpu.memref_slice %arg2[%dma_wait3A_343, %dma_wait3A_344] : memref<100000x128xf32, #tpu.memory_space<hbm>> -> memref<100000x128xf32, #tpu.memory_space<hbm>>
    tpu.wait_indirect_dma semaphore(%arg8 : memref<!tpu.dma_semaphore, #tpu.memory_space<semaphore_mem>>) src(%dma_wait3A_345 : memref<100000x128xf32, #tpu.memory_space<hbm>>) dst(%dma_wait3A_340 : memref<50x128xf32, #tpu.memory_space<vmem>>)
    %dma_wait3A_346 = arith.constant 1 : i32
    %dma_wait3A_347 = arith.constant 5 : i32
    %dma_wait3A_348 = arith.constant 0 : i32
    %dma_wait3A_349 = arith.constant 0 : i32
    %dma_wait3A_350 = tpu.memref_slice %arg6[%dma_wait3A_346, %dma_wait3A_347, %dma_wait3A_348, %dma_wait3A_349] : memref<2x8x56x128xf32, #tpu.memory_space<vmem>> -> memref<1x1x50x128xf32, #tpu.memory_space<vmem>>
    %dma_wait3A_351 = tpu.memref_squeeze %dma_wait3A_350 : memref<1x1x50x128xf32, #tpu.memory_space<vmem>> -> memref<50x128xf32, #tpu.memory_space<vmem>>
    %dma_wait3A_352 = arith.constant 7000 : i32
    %dma_wait3A_353 = tpu.memref_slice %arg5[%dma_wait3A_352] : memref<7168xi32, #tpu.memory_space<vmem>> -> memref<50xi32, #tpu.memory_space<vmem>>
    %dma_wait3A_354 = arith.constant 0 : i32
    %dma_wait3A_355 = arith.constant 0 : i32
    %dma_wait3A_356 = tpu.memref_slice %arg2[%dma_wait3A_354, %dma_wait3A_355] : memref<100000x128xf32, #tpu.memory_space<hbm>> -> memref<100000x128xf32, #tpu.memory_space<hbm>>
    tpu.wait_indirect_dma semaphore(%arg8 : memref<!tpu.dma_semaphore, #tpu.memory_space<semaphore_mem>>) src(%dma_wait3A_356 : memref<100000x128xf32, #tpu.memory_space<hbm>>) dst(%dma_wait3A_351 : memref<50x128xf32, #tpu.memory_space<vmem>>)
    %dma_wait3A_357 = arith.constant 1 : i32
    %dma_wait3A_358 = arith.constant 6 : i32
    %dma_wait3A_359 = arith.constant 0 : i32
    %dma_wait3A_360 = arith.constant 0 : i32
    %dma_wait3A_361 = tpu.memref_slice %arg6[%dma_wait3A_357, %dma_wait3A_358, %dma_wait3A_359, %dma_wait3A_360] : memref<2x8x56x128xf32, #tpu.memory_space<vmem>> -> memref<1x1x50x128xf32, #tpu.memory_space<vmem>>
    %dma_wait3A_362 = tpu.memref_squeeze %dma_wait3A_361 : memref<1x1x50x128xf32, #tpu.memory_space<vmem>> -> memref<50x128xf32, #tpu.memory_space<vmem>>
    %dma_wait3A_363 = arith.constant 7056 : i32
    %dma_wait3A_364 = tpu.memref_slice %arg5[%dma_wait3A_363] : memref<7168xi32, #tpu.memory_space<vmem>> -> memref<50xi32, #tpu.memory_space<vmem>>
    %dma_wait3A_365 = arith.constant 0 : i32
    %dma_wait3A_366 = arith.constant 0 : i32
    %dma_wait3A_367 = tpu.memref_slice %arg2[%dma_wait3A_365, %dma_wait3A_366] : memref<100000x128xf32, #tpu.memory_space<hbm>> -> memref<100000x128xf32, #tpu.memory_space<hbm>>
    tpu.wait_indirect_dma semaphore(%arg8 : memref<!tpu.dma_semaphore, #tpu.memory_space<semaphore_mem>>) src(%dma_wait3A_367 : memref<100000x128xf32, #tpu.memory_space<hbm>>) dst(%dma_wait3A_362 : memref<50x128xf32, #tpu.memory_space<vmem>>)
    %dma_wait3A_368 = arith.constant 1 : i32
    %dma_wait3A_369 = arith.constant 7 : i32
    %dma_wait3A_370 = arith.constant 0 : i32
    %dma_wait3A_371 = arith.constant 0 : i32
    %dma_wait3A_372 = tpu.memref_slice %arg6[%dma_wait3A_368, %dma_wait3A_369, %dma_wait3A_370, %dma_wait3A_371] : memref<2x8x56x128xf32, #tpu.memory_space<vmem>> -> memref<1x1x50x128xf32, #tpu.memory_space<vmem>>
    %dma_wait3A_373 = tpu.memref_squeeze %dma_wait3A_372 : memref<1x1x50x128xf32, #tpu.memory_space<vmem>> -> memref<50x128xf32, #tpu.memory_space<vmem>>
    %dma_wait3A_374 = arith.constant 7112 : i32
    %dma_wait3A_375 = tpu.memref_slice %arg5[%dma_wait3A_374] : memref<7168xi32, #tpu.memory_space<vmem>> -> memref<50xi32, #tpu.memory_space<vmem>>
    %dma_wait3A_376 = arith.constant 0 : i32
    %dma_wait3A_377 = arith.constant 0 : i32
    %dma_wait3A_378 = tpu.memref_slice %arg2[%dma_wait3A_376, %dma_wait3A_377] : memref<100000x128xf32, #tpu.memory_space<hbm>> -> memref<100000x128xf32, #tpu.memory_space<hbm>>
    tpu.wait_indirect_dma semaphore(%arg8 : memref<!tpu.dma_semaphore, #tpu.memory_space<semaphore_mem>>) src(%dma_wait3A_378 : memref<100000x128xf32, #tpu.memory_space<hbm>>) dst(%dma_wait3A_373 : memref<50x128xf32, #tpu.memory_space<vmem>>)
    %add3A_379 = arith.constant 120 : i32
    %add3A_380 = arith.addi %mul3A_2, %add3A_379 : i32
    %dma_start3A_381 = arith.constant 1 : i32
    %dma_start3A_382 = arith.constant 0 : i32
    %dma_start3A_383 = arith.constant 0 : i32
    %dma_start3A_384 = arith.constant 0 : i32
    %dma_start3A_385 = tpu.memref_slice %arg6[%dma_start3A_381, %dma_start3A_382, %dma_start3A_383, %dma_start3A_384] : memref<2x8x56x128xf32, #tpu.memory_space<vmem>> -> memref<1x8x50x128xf32, #tpu.memory_space<vmem>>
    %dma_start3A_386 = tpu.memref_squeeze %dma_start3A_385 : memref<1x8x50x128xf32, #tpu.memory_space<vmem>> -> memref<8x50x128xf32, #tpu.memory_space<vmem>>
    %dma_start3A_387 = arith.constant 0 : i32
    %dma_start3A_388 = arith.constant 0 : i32
    %dma_start3A_389 = tpu.memref_slice %arg4[%add3A_380, %dma_start3A_387, %dma_start3A_388] : memref<4096x50x128xf32, #tpu.memory_space<hbm>> -> memref<8x50x128xf32, #tpu.memory_space<hbm>>
    %dma_start3A_390 = arith.constant 0 : i32
    %dma_start3A_391 = arith.constant 0 : i32
    %dma_start3A_392 = tpu.memref_slice %arg4[%add3A_380, %dma_start3A_390, %dma_start3A_391] : memref<4096x50x128xf32, #tpu.memory_space<hbm>> -> memref<8x50x128xf32, #tpu.memory_space<hbm>>
    %dma_start3A_393 = arith.constant 0 : i32
    %dma_start3A_394 = arith.constant 0 : i32
    %dma_start3A_395 = arith.constant 0 : i32
    %dma_start3A_396 = tpu.memref_slice %arg6[%dma_start3A_381, %dma_start3A_393, %dma_start3A_394, %dma_start3A_395] : memref<2x8x56x128xf32, #tpu.memory_space<vmem>> -> memref<1x8x50x128xf32, #tpu.memory_space<vmem>>
    %dma_start3A_397 = tpu.memref_squeeze %dma_start3A_396 : memref<1x8x50x128xf32, #tpu.memory_space<vmem>> -> memref<8x50x128xf32, #tpu.memory_space<vmem>>
    tpu.enqueue_dma source(%dma_start3A_397 : memref<8x50x128xf32, #tpu.memory_space<vmem>>) target(%dma_start3A_392 : memref<8x50x128xf32, #tpu.memory_space<hbm>>) target_semaphore(%arg10 : memref<!tpu.dma_semaphore, #tpu.memory_space<semaphore_mem>>)
    %add3A_398 = arith.constant 112 : i32
    %add3A_399 = arith.addi %mul3A_2, %add3A_398 : i32
    %dma_wait3A_400 = arith.constant 0 : i32
    %dma_wait3A_401 = arith.constant 0 : i32
    %dma_wait3A_402 = arith.constant 0 : i32
    %dma_wait3A_403 = arith.constant 0 : i32
    %dma_wait3A_404 = tpu.memref_slice %arg6[%dma_wait3A_400, %dma_wait3A_401, %dma_wait3A_402, %dma_wait3A_403] : memref<2x8x56x128xf32, #tpu.memory_space<vmem>> -> memref<1x8x50x128xf32, #tpu.memory_space<vmem>>
    %dma_wait3A_405 = tpu.memref_squeeze %dma_wait3A_404 : memref<1x8x50x128xf32, #tpu.memory_space<vmem>> -> memref<8x50x128xf32, #tpu.memory_space<vmem>>
    %dma_wait3A_406 = arith.constant 0 : i32
    %dma_wait3A_407 = arith.constant 0 : i32
    %dma_wait3A_408 = tpu.memref_slice %arg4[%add3A_399, %dma_wait3A_406, %dma_wait3A_407] : memref<4096x50x128xf32, #tpu.memory_space<hbm>> -> memref<8x50x128xf32, #tpu.memory_space<hbm>>
    %dma_wait3A_409 = arith.constant 0 : i32
    %dma_wait3A_410 = arith.constant 0 : i32
    %dma_wait3A_411 = tpu.memref_slice %arg4[%add3A_399, %dma_wait3A_409, %dma_wait3A_410] : memref<4096x50x128xf32, #tpu.memory_space<hbm>> -> memref<8x50x128xf32, #tpu.memory_space<hbm>>
    %dma_wait3A_412 = arith.constant 0 : i32
    %dma_wait3A_413 = arith.constant 0 : i32
    %dma_wait3A_414 = arith.constant 0 : i32
    %dma_wait3A_415 = tpu.memref_slice %arg6[%dma_wait3A_400, %dma_wait3A_412, %dma_wait3A_413, %dma_wait3A_414] : memref<2x8x56x128xf32, #tpu.memory_space<vmem>> -> memref<1x8x50x128xf32, #tpu.memory_space<vmem>>
    %dma_wait3A_416 = tpu.memref_squeeze %dma_wait3A_415 : memref<1x8x50x128xf32, #tpu.memory_space<vmem>> -> memref<8x50x128xf32, #tpu.memory_space<vmem>>
    tpu.wait_dma2 semaphore(%arg9 : memref<!tpu.dma_semaphore, #tpu.memory_space<semaphore_mem>>) src(%dma_wait3A_416 : memref<8x50x128xf32, #tpu.memory_space<vmem>>) dst(%dma_wait3A_411 : memref<8x50x128xf32, #tpu.memory_space<hbm>>)
    %add3A_417 = arith.constant 120 : i32
    %add3A_418 = arith.addi %mul3A_2, %add3A_417 : i32
    %dma_wait3A_419 = arith.constant 1 : i32
    %dma_wait3A_420 = arith.constant 0 : i32
    %dma_wait3A_421 = arith.constant 0 : i32
    %dma_wait3A_422 = arith.constant 0 : i32
    %dma_wait3A_423 = tpu.memref_slice %arg6[%dma_wait3A_419, %dma_wait3A_420, %dma_wait3A_421, %dma_wait3A_422] : memref<2x8x56x128xf32, #tpu.memory_space<vmem>> -> memref<1x8x50x128xf32, #tpu.memory_space<vmem>>
    %dma_wait3A_424 = tpu.memref_squeeze %dma_wait3A_423 : memref<1x8x50x128xf32, #tpu.memory_space<vmem>> -> memref<8x50x128xf32, #tpu.memory_space<vmem>>
    %dma_wait3A_425 = arith.constant 0 : i32
    %dma_wait3A_426 = arith.constant 0 : i32
    %dma_wait3A_427 = tpu.memref_slice %arg4[%add3A_418, %dma_wait3A_425, %dma_wait3A_426] : memref<4096x50x128xf32, #tpu.memory_space<hbm>> -> memref<8x50x128xf32, #tpu.memory_space<hbm>>
    %dma_wait3A_428 = arith.constant 0 : i32
    %dma_wait3A_429 = arith.constant 0 : i32
    %dma_wait3A_430 = tpu.memref_slice %arg4[%add3A_418, %dma_wait3A_428, %dma_wait3A_429] : memref<4096x50x128xf32, #tpu.memory_space<hbm>> -> memref<8x50x128xf32, #tpu.memory_space<hbm>>
    %dma_wait3A_431 = arith.constant 0 : i32
    %dma_wait3A_432 = arith.constant 0 : i32
    %dma_wait3A_433 = arith.constant 0 : i32
    %dma_wait3A_434 = tpu.memref_slice %arg6[%dma_wait3A_419, %dma_wait3A_431, %dma_wait3A_432, %dma_wait3A_433] : memref<2x8x56x128xf32, #tpu.memory_space<vmem>> -> memref<1x8x50x128xf32, #tpu.memory_space<vmem>>
    %dma_wait3A_435 = tpu.memref_squeeze %dma_wait3A_434 : memref<1x8x50x128xf32, #tpu.memory_space<vmem>> -> memref<8x50x128xf32, #tpu.memory_space<vmem>>
    tpu.wait_dma2 semaphore(%arg10 : memref<!tpu.dma_semaphore, #tpu.memory_space<semaphore_mem>>) src(%dma_wait3A_435 : memref<8x50x128xf32, #tpu.memory_space<vmem>>) dst(%dma_wait3A_430 : memref<8x50x128xf32, #tpu.memory_space<hbm>>)
    return
  }
}

</mosaic_0001>

<sc_bundles>
// kernel: kernel.3.cloned.1.call-start
scs
__scs_entry_jumppad:
0x0: {  	(pc) =	sbr.rel $0x88, $3  }
0x1: {  	(tag) =	ssettag $0x0;
	lr =	simm.s32 $0x1  }
0x2: {  	[smem:$0x3F9F] =	sst lr;
	_ =	strace $0xD0000000  }
0x3: {  	_ = 	snop  }
0x4: {  	_ = 	snop  }
0x5: {  	_ = 	snop  }
0x6: {  	_ = 	snop  }
0x7: {  	_ = 	snop  }
__scs_overlays_trampoline_lowered:
0x8: {  	[smem:$0x3FAE] =	sst s0  }
0x9: {  	[smem:$0x3FAF] =	sst s1  }
0xa: {  	[smem:$0x3FB0] =	sst s2  }
0xb: {  	[smem:$0x3FB1] =	sst s3  }
0xc: {  	[smem:$0x3FB2] =	sst s4  }
0xd: {  	[smem:$0x3FB3] =	sst s5  }
0xe: {  	[smem:$0x3FB4] =	sst s6  }
0xf: {  	[smem:$0x3FB5] =	sst s7  }
0x10: {  	[smem:$0x3FB6] =	sst s8  }
0x11: {  	[smem:$0x3FB7] =	sst s9;
	s0 =	simm.s32 @!p0 $0x0  }
0x12: {  	s1 =	sld [smem:$0x3F9D];
	s0 =	simm.s32 @p0 $0x1  }
0x13: {  	[smem:$0x3FB8] =	sst s0;
	s0 =	simm.s32 @!p1 $0x0  }
0x14: {  	s2 =	sld [smem:$0x3F9C];
	s0 =	simm.s32 @p1 $0x1  }
0x15: {  	[smem:$0x3FB9] =	sst s0;
	s0 =	simm.s32 @!p2 $0x0  }
0x16: {  	s3 =	sld [smem:$0x3FDB];
	s0 =	simm.s32 @p2 $0x1  }
0x17: {  	s4 =	simm.s32 $0x1BF5;
	[smem:$0x3FBB] =	sst s0  }
0x18: {  	s0 =	sld [smem:$0x3F9E];
	_ =	swait.ge [sflag:s4], $0x0  }
0x19: {  	s7 =	sld [smem:$0x3F9F]  }
0x1a: {  	s8 =	sadd.s32 $0xFFFFE003, lr  }
0x1b: {  	s9 =	sadd.s32 $0xFFFFFEF7, lr;
	s5 =	simm.s32 $0xFFFFFFFF;
	p2 =	slt.u32 s8, $0xFFFFF086  }
0x1c: {  	p1 =	slt.u32 s9, $0xF7A;
	s5 =	simm.s32 @!p2 $0x0  }
0x1d: {  	s5 =	simm.s32 @p1 $0x1;
	p0 =	seq.s32 s7, s2  }
0x1e: {  	s7 =	smul.u32 @!p0 $0xF7A, s2;
	p2 =	seq.s32 @!p0 s5, $0x0  }
0x1f: {  	s9 =	smul.u32 $0xF7A, s1;
	s8 =	simm.s32 @!p0 $0x1BF5;
	p2 =	por !p2, p0  }
0x20: {  	[sflag:s8] =	ssyncset.s32 @!p0 $0xFFFFF086;
	s6 =	sadd.s32 @!p0 s3, s7;
	s7 =	simm.s32 @!p0 $0x108  }
0x21: {  	s3 =	sadd.s32 s3, s9;
	s6 =	sadd.s32 @!p0 $0x88, s6;
	s7 =	simm.s32 @p2 $0x1082  }
0x22: {  	[simem:s7], [sflag:s8] =	dma.local @!p0 [hbm:s6], $0xF7A  }
0x23: {  	s9 =	sor.u32 $0xD0000000, s2;
	s6 =	simm.s32 $0x108;
	_ =	swait.ge @!p0 [sflag:s8], $0x0  }
0x24: {  	s3 =	sadd.s32 $0x88, s3;
	s6 =	simm.s32 @!p1 $0x1082;
	[sflag:s4] =	ssyncset.s32 $0xFFFFF086  }
0x25: {  	[simem:s6], [sflag:s4] =	dma.local [hbm:s3], $0xF7A  }
0x26: {  	[smem:$0x3F9F] =	sst s1;
	(tag) =	ssettag s2;
	_ =	strace s9  }
0x27: {  	s1 =	sld [smem:$0x3FAF]  }
0x28: {  	s2 =	sld [smem:$0x3FB0]  }
0x29: {  	s4 =	sld [smem:$0x3FB2]  }
0x2a: {  	p0 =	seq.s32 s5, $0x0;
	s5 =	sld [smem:$0x3FB3]  }
0x2b: {  	s6 =	sld [smem:$0x3FB4]  }
0x2c: {  	s7 =	sld [smem:$0x3FB5]  }
0x2d: {  	s3 =	simm.s32 $0x108;
	s8 =	sld [smem:$0x3FB6]  }
0x2e: {  	s3 =	simm.s32 @!p0 $0x1082;
	s9 =	sld [smem:$0x3FB7]  }
0x2f: {  	lr =	sadd.s32 s0, s3;
	s0 =	sld [smem:$0x3FAE]  }
0x30: {  	s3 =	sld [smem:$0x3FB1]  }
0x31: {  	[smem:$0x3FBA] =	sst s10  }
0x32: {  	s10 =	sld [smem:$0x3FB8];
	_ =	sdelay $0x3  }
0x33: {  	p0 =	seq.s32 s10, $0x1;
	s10 =	sld [smem:$0x3FBA];
	_ =	sdelay $0x3  }
0x34: {  	[smem:$0x3FBA] =	sst s10  }
0x35: {  	s10 =	sld [smem:$0x3FB9];
	_ =	sdelay $0x3  }
0x36: {  	p1 =	seq.s32 s10, $0x1;
	s10 =	sld [smem:$0x3FBA];
	_ =	sdelay $0x3  }
0x37: {  	[smem:$0x3FBA] =	sst s10  }
0x38: {  	s10 =	sld [smem:$0x3FBB]  }
0x39: {  	_ = 	snop;
	(pc) =	sbr.ind lr, $3  }
0x3a: {  	_ = 	snop  }
0x3b: {  	_ = 	snop  }
0x3c: {  	p2 =	seq.s32 s10, $0x1;
	s10 =	sld [smem:$0x3FBA]  }
0x3d: {  	_ =	shalt  }
0x3e: {  	_ =	shalt  }
0x3f: {  	_ =	shalt  }
0x40: {  	_ =	shalt  }
0x41: {  	_ =	shalt  }
0x42: {  	_ =	shalt  }
0x43: {  	_ =	shalt  }
0x44: {  	_ =	shalt  }
0x45: {  	_ =	shalt  }
0x46: {  	_ =	shalt  }
0x47: {  	_ =	shalt  }
0x48: {  	_ =	shalt  }
0x49: {  	_ =	shalt  }
0x4a: {  	_ =	shalt  }
0x4b: {  	_ =	shalt  }
0x4c: {  	_ =	shalt  }
0x4d: {  	_ =	shalt  }
0x4e: {  	_ =	shalt  }
0x4f: {  	_ =	shalt  }
0x50: {  	_ =	shalt  }
0x51: {  	_ =	shalt  }
0x52: {  	_ =	shalt  }
0x53: {  	_ =	shalt  }
0x54: {  	_ =	shalt  }
0x55: {  	_ =	shalt  }
0x56: {  	_ =	shalt  }
0x57: {  	_ =	shalt  }
0x58: {  	_ =	shalt  }
0x59: {  	_ =	shalt  }
0x5a: {  	_ =	shalt  }
0x5b: {  	_ =	shalt  }
0x5c: {  	_ =	shalt  }
0x5d: {  	_ =	shalt  }
0x5e: {  	_ =	shalt  }
0x5f: {  	_ =	shalt  }
0x60: {  	_ =	shalt  }
0x61: {  	_ =	shalt  }
0x62: {  	_ =	shalt  }
0x63: {  	_ =	shalt  }
0x64: {  	_ =	shalt  }
0x65: {  	_ =	shalt  }
0x66: {  	_ =	shalt  }
0x67: {  	_ =	shalt  }
0x68: {  	_ =	shalt  }
0x69: {  	_ =	shalt  }
0x6a: {  	_ =	shalt  }
0x6b: {  	_ =	shalt  }
0x6c: {  	_ =	shalt  }
0x6d: {  	_ =	shalt  }
0x6e: {  	_ =	shalt  }
0x6f: {  	_ =	shalt  }
0x70: {  	_ =	shalt  }
0x71: {  	_ =	shalt  }
0x72: {  	_ =	shalt  }
0x73: {  	_ =	shalt  }
0x74: {  	_ =	shalt  }
0x75: {  	_ =	shalt  }
0x76: {  	_ =	shalt  }
0x77: {  	_ =	shalt  }
0x78: {  	_ =	shalt  }
0x79: {  	_ =	shalt  }
0x7a: {  	_ =	shalt  }
0x7b: {  	_ =	shalt  }
0x7c: {  	_ =	shalt  }
0x7d: {  	_ =	shalt  }
0x7e: {  	_ =	shalt  }
0x7f: {  	_ =	shalt  }
0x80: {  	_ =	shalt  }
0x81: {  	_ =	shalt  }
0x82: {  	_ =	shalt  }
0x83: {  	_ =	shalt  }
0x84: {  	_ =	shalt  }
0x85: {  	_ =	shalt  }
0x86: {  	_ =	shalt  }
0x87: {  	_ =	shalt  }
.Lfunc_end0:
.L_simem_size_0:
called_computation_lowered:
.L_overlay_start_0:
0x88: {  	s2 =	sld [smem:$0x3FD9]  }
0x89: {  	s3 =	sld [smem:$0x3FFE];
	_ =	sdelay $0x1  }
0x8a: {  	s1 =	srdreg.scid  }
0x8b: {  	s0 =	sand.u32 $0x1, s1  }
0x8c: {  	s17 =	sshll.u32 s0, $0xA;
	s2 =	sadd.s32 s3, s2  }
0x8d: {  	s2 =	sadd.s32 s2, s17  }
0x8e: {  	[smem:$0x3FC6] =	sst s2  }
0x8f: {  	_ = 	snop  }
0x90: {  	s2 =	sld [smem:$0x3FC9]  }
0x91: {  	s18 =	sld [smem:$0x3FD0];
	(tm) =	ssettm $0x1  }
0x92: {  	s4 =	sld [smem:$0x3FFB];
	_ =	sdelay $0x3  }
0x93: {  	_ =	strace s4  }
0x94: {  	s4 =	sld [smem:$0x3FFC];
	_ =	sdelay $0x3  }
0x95: {  	_ =	strace s4  }
0x96: {  	s4 =	sld [smem:$0x3FFD];
	_ =	sdelay $0x3  }
0x97: {  	_ =	strace s4  }
0x98: {  	_ =	strace $0x8FFFFFFF  }
0x99: {  	s19 =	sld [smem:$0x3FDB];
	_ =	sdelay $0x1  }
0x9a: {  	s5 =	simm.s32 $_scs_section_size  }
0x9b: {  	s6 =	simm.s32 $_size__tile_overlayer_lowered;
	s7 =	simm.s32 $_tile_overlayer_lowered  }
0x9c: {  	s22 =	simm.s32 $0x1BFF;
	s21 =	sshll.u32 s7, $0x1;
	s4 =	sadd.s32 s5, s19  }
0x9d: {  	s8 =	simm.s32 $0x0;
	s20 =	sshll.u32 s6, $0x1;
	s6 =	sadd.s32 s21, s4  }
0x9e: {  	[timem:s8], [sflag:s22] =	dma.local [hbm:s6], s20  }
0x9f: {  	_ =	swait.ge [sflag:s22], s20  }
0xa0: {  	s5 =	ssub.s32 $0x0, s20;
	[sflag:s22] =	ssyncset.done $0x0  }
0xa1: {  	[sflag:s22] =	ssyncadd.s32 s5;
	_ =	sdelay $0x1  }
0xa2: {  	s23 =	simm.s32 $0x1B8B  }
0xa3: {  	_ =	swait.ge [sflag:s23], $0x1  }
0xa4: {  	[sflag:s23] =	ssyncset.done $0x0  }
0xa5: {  	s25 =	simm.s32 $0x1B8E;
	s24 =	sld [smem:$0x3FFE];
	[sflag:s23] =	ssyncadd.s32 $0xFFFFFFFF  }
0xa6: {  	s26 =	simm.s32 $execute0_lowered;
	[smem:$0x3FD2] =	sst s25  }
0xa7: {  	s6 =	sshll.u32 s26, $0x1;
	_ =	strace $0x80000046;
	[dreg:$0x1] =	wrdreg $0xFFFFFFFF  }
0xa8: {  	s28 =	simm.s32 $_size_execute0_lowered;
	s4 =	sadd.s32 s4, s6;
	[dreg:$0x0] =	wrdreg $0x0  }
0xa9: {  	s6 =	sshll.u32 s28, $0x1;
	[dreg:$0x2] =	wrdreg s4  }
0xaa: {  	[dreg:$0x3] =	wrdreg s6  }
0xab: {  	[dreg:$0x4] =	wrdreg $0xC0  }
0xac: {  	_ =	task [dreg:s8], $0x5FFFF  }
0xad: {  	[dreg:$0x1] =	wrdreg $0xFFFFFFFF  }
0xae: {  	[dreg:$0x0] =	wrdreg $0x60  }
0xaf: {  	[dreg:$0x2] =	wrdreg s2  }
0xb0: {  	[dreg:$0x3] =	wrdreg s18  }
0xb1: {  	[dreg:$0x4] =	wrdreg s24  }
0xb2: {  	[dreg:$0x5] =	wrdreg $0x9  }
0xb3: {  	_ =	task.clear_ibuf [dreg:s8], $0x6FFFF;
	_ =	strace $0x90000046  }
0xb4: {  	s29 =	simm.s32 $0x9;
	_ =	strace $0x80000048  }
0xb5: {  	_ =	swait.ge [sflag:s29], $0x1  }
0xb6: {  	[sflag:s29] =	ssyncadd.s32 $0xFFFFFFFF  }
0xb7: {  	_ =	strace $0x90000048  }
0xb8: {  	_ =	sfence  }
0xb9: {  	s30 =	sld [smem:$0x0];
	_ =	sdelay $0x2  }
0xba: {  	s31 =	sshll.u32 s1, $0xD;
	s1 =	sshrl.u32 s1, $0x2  }
0xbb: {  	s3 =	sand.u32 $0x4000, s31;
	s1 =	sadd.s32 s1, s30  }
0xbc: {  	s0 =	sor.u32 s3, s0;
	s1 =	sshll.u32 s1, $0x11  }
0xbd: {  	s0 =	sor.u32 s1, s0  }
0xbe: {  	s0 =	sadd.s32 $0x8F2B, s0  }
0xbf: {  	[sflag:s0] =	ssyncadd.remote.s32 $0x1  }
0xc0: {  	_ =	sfence.sel $0xFFFF  }
0xc1: {  	[dreg:$0x0] =	wrdreg $0xFFFFFFFF;
	(pc) =	sbr.abs _section_cstart, $3  }
0xc2: {  	[dreg:$0x1] =	wrdreg $0xFFFFFFFF  }
0xc3: {  	_ =	task.clear_ibuf [dreg:s8], $0x2FFFF;
	_ =	strace $0x9FFFFFFF  }
0xc4: {  	(tm) =	ssettm $0x7FFFFFFF  }
0xc5: {  	_ =	shalt  }
tec
execute0_lowered:
.L_overlay_start_1:
0x0: {  	(tag) =	ssettag $0x1  }
0x1: {  	s1 =	rddreg [dreg:$0x0]  }
0x2: {  	s0 =	srdreg.scid;
	s2 =	rddreg [dreg:$0x1]  }
0x3: {  	s10 =	stileid.u32;
	s4 =	rddreg [dreg:$0x2]  }
0x4: {  	s11 =	simm.s32 $0x1C00;
	s13 =	simm.s32 $0x3800;
	s15 =	simm.s32 $0x5400  }
0x5: {  	s17 =	simm.s32 $0x7000;
	s19 =	simm.s32 $0x8C00;
	s21 =	simm.s32 $0xA800  }
0x6: {  	s23 =	simm.s32 $0xC400;
	s28 =	simm.s32 $0xFC00;
	s30 =	simm.s32 $0x11800  }
0x7: {  	s12 =	simm.s32 $0x15000;
	s16 =	simm.s32 $0x16C00;
	s20 =	simm.s32 $0x18800  }
0x8: {  	s29 =	simm.s32 $0x1C000;
	s31 =	simm.s32 $0x1;
	s14 =	simm.s32 $0x2  }
0x9: {  	s18 =	simm.s32 $0x4;
	s0 =	sand.u32 $0x1, s0;
	s3 =	sshll.u32 s10, $0x1  }
0xa: {  	s22 =	simm.s32 $0x0;
	s24 =	smul.u32 $0x38000, s10;
	s5 =	sor.u32 s0, s3  }
0xb: {  	s4 =	sadd.s32 $0x400, s4;
	s10 =	simm.s32 $0x32;
	s6 =	smul.u32 $0x380, s5  }
0xc: {  	s3 =	simm.s32 $0x0;
	s7 =	ssub.s32 $0x2, s0;
	s8 =	smul.u32 $0x1C000, s5  }
0xd: {  	[smem:$0x7FF] =	sst s3;
	s9 =	sshrl.u32 s7, $0x1;
	s5 =	smul.u32 $0xE0000, s5  }
0xe: {  	s0 =	smul.u32 $0x1C000, s0;
	_ =	strace $0x80000047;
	s7 =	ssub.s32 s7, s9  }
0xf: {  	s2 =	sadd.s32 s2, s6;
	s25 =	sshrl.u32 s5, $0x3;
	s5 =	sadd.s32 s4, s8  }
0x10: {  	s26 =	smax.u32 s7, $0x1;
	[dreg:$0x4] =	wrdreg s2;
	s2 =	sadd.s32 s4, s25  }
0x11: {  	s4 =	sadd.s32 s24, s4;
	[dreg:$0x5] =	wrdreg s26;
	s25 =	simm.s32 $0xE000  }
0x12: {  	s24 =	simm.s32 $0x1A400;
	s6 =	sadd.s32 $0x1A400, s2;
	s0 =	sadd.s32 s0, s4  }
0x13: {  	s2 =	simm.s32 $0x13400;
	s8 =	sadd.s32 $0x3800, s0;
	s0 =	simm.s32 $0x3  }
.LBB2_1:
0x14: {  	s4 =	rddreg [dreg:$0x4];
	s9 =	simm.s32 $0x5  }
0x15: {  	[tilespmem:s3], [sflag:$0x5] =	stream.linear.gather [hbm4b:s4+s3], $0x1C00, $0x38;
	[tilespmem:$0x1DC00] =	vst v63  }
0x16: {  	_ =	swait.ge [sflag:s9], $0x1C00  }
0x17: {  	[sflag:s9] =	ssyncset.done $0x0  }
0x18: {  	[sflag:s9] =	ssyncadd.s32 $0xFFFFE400  }
0x19: {  	[tilespmem:s11], [sflag:$0x1] =	stream.indirect.gather [hbm4b:s1+s10], $0x80, s3, s10, $0xb8;
	[tilespmem:$0x1DC00] =	vst v63  }
0x1a: {  	s26 =	simm.s32 $0x38  }
0x1b: {  	[tilespmem:s13], [sflag:$0x1] =	stream.indirect.gather [hbm4b:s1+s10], $0x80, s26, s10, $0xb8;
	[tilespmem:$0x1DC00] =	vst v63  }
0x1c: {  	s7 =	simm.s32 $0x70  }
0x1d: {  	[tilespmem:s15], [sflag:$0x1] =	stream.indirect.gather [hbm4b:s1+s10], $0x80, s7, s10, $0xb8;
	[tilespmem:$0x1DC00] =	vst v63  }
0x1e: {  	s9 =	simm.s32 $0xA8  }
0x1f: {  	[tilespmem:s17], [sflag:$0x1] =	stream.indirect.gather [hbm4b:s1+s10], $0x80, s9, s10, $0xb8;
	[tilespmem:$0x1DC00] =	vst v63  }
0x20: {  	s26 =	simm.s32 $0xE0  }
0x21: {  	[tilespmem:s19], [sflag:$0x1] =	stream.indirect.gather [hbm4b:s1+s10], $0x80, s26, s10, $0xb8;
	[tilespmem:$0x1DC00] =	vst v63  }
0x22: {  	s7 =	simm.s32 $0x118  }
0x23: {  	[tilespmem:s21], [sflag:$0x1] =	stream.indirect.gather [hbm4b:s1+s10], $0x80, s7, s10, $0xb8;
	[tilespmem:$0x1DC00] =	vst v63  }
0x24: {  	s9 =	simm.s32 $0x150  }
0x25: {  	[tilespmem:s23], [sflag:$0x1] =	stream.indirect.gather [hbm4b:s1+s10], $0x80, s9, s10, $0xb8;
	[tilespmem:$0x1DC00] =	vst v63  }
0x26: {  	s26 =	simm.s32 $0x188  }
0x27: {  	[tilespmem:s25], [sflag:$0x1] =	stream.indirect.gather [hbm4b:s1+s10], $0x80, s26, s10, $0xb8;
	[tilespmem:$0x1DC00] =	vst v63  }
0x28: {  	s7 =	simm.s32 $0x1C0  }
0x29: {  	[tilespmem:s28], [sflag:$0x2] =	stream.indirect.gather [hbm4b:s1+s10], $0x80, s7, s10, $0xb8;
	[tilespmem:$0x1DC00] =	vst v63  }
0x2a: {  	s9 =	simm.s32 $0x1F8  }
0x2b: {  	[tilespmem:s30], [sflag:$0x2] =	stream.indirect.gather [hbm4b:s1+s10], $0x80, s9, s10, $0xb8;
	[tilespmem:$0x1DC00] =	vst v63  }
0x2c: {  	s26 =	simm.s32 $0x230  }
0x2d: {  	[tilespmem:s2], [sflag:$0x2] =	stream.indirect.gather [hbm4b:s1+s10], $0x80, s26, s10, $0xb8;
	[tilespmem:$0x1DC00] =	vst v63  }
0x2e: {  	s7 =	simm.s32 $0x268  }
0x2f: {  	[tilespmem:s12], [sflag:$0x2] =	stream.indirect.gather [hbm4b:s1+s10], $0x80, s7, s10, $0xb8;
	[tilespmem:$0x1DC00] =	vst v63  }
0x30: {  	s9 =	simm.s32 $0x2A0  }
0x31: {  	[tilespmem:s16], [sflag:$0x2] =	stream.indirect.gather [hbm4b:s1+s10], $0x80, s9, s10, $0xb8;
	[tilespmem:$0x1DC00] =	vst v63  }
0x32: {  	s26 =	simm.s32 $0x2D8  }
0x33: {  	[tilespmem:s20], [sflag:$0x2] =	stream.indirect.gather [hbm4b:s1+s10], $0x80, s26, s10, $0xb8;
	[tilespmem:$0x1DC00] =	vst v63  }
0x34: {  	s7 =	simm.s32 $0x310  }
0x35: {  	[tilespmem:s24], [sflag:$0x2] =	stream.indirect.gather [hbm4b:s1+s10], $0x80, s7, s10, $0xb8;
	[tilespmem:$0x1DC00] =	vst v63  }
0x36: {  	s9 =	simm.s32 $0x348  }
0x37: {  	[tilespmem:s29], [sflag:$0x2] =	stream.indirect.gather [hbm4b:s1+s10], $0x80, s9, s10, $0xb8;
	[tilespmem:$0x1DC00] =	vst v63  }
0x38: {  	_ =	swait.ge [sflag:s31], $0x1900  }
0x39: {  	[sflag:s31] =	ssyncset.done $0x0  }
0x3a: {  	[sflag:s31] =	ssyncadd.s32 $0xFFFFE700  }
0x3b: {  	_ =	swait.ge [sflag:s31], $0x1900  }
0x3c: {  	[sflag:s31] =	ssyncset.done $0x0  }
0x3d: {  	[sflag:s31] =	ssyncadd.s32 $0xFFFFE700  }
0x3e: {  	_ =	swait.ge [sflag:s31], $0x1900  }
0x3f: {  	[sflag:s31] =	ssyncset.done $0x0  }
0x40: {  	[sflag:s31] =	ssyncadd.s32 $0xFFFFE700  }
0x41: {  	_ =	swait.ge [sflag:s31], $0x1900  }
0x42: {  	[sflag:s31] =	ssyncset.done $0x0  }
0x43: {  	[sflag:s31] =	ssyncadd.s32 $0xFFFFE700  }
0x44: {  	_ =	swait.ge [sflag:s31], $0x1900  }
0x45: {  	[sflag:s31] =	ssyncset.done $0x0  }
0x46: {  	[sflag:s31] =	ssyncadd.s32 $0xFFFFE700  }
0x47: {  	_ =	swait.ge [sflag:s31], $0x1900  }
0x48: {  	[sflag:s31] =	ssyncset.done $0x0  }
0x49: {  	[sflag:s31] =	ssyncadd.s32 $0xFFFFE700  }
0x4a: {  	_ =	swait.ge [sflag:s31], $0x1900  }
0x4b: {  	[sflag:s31] =	ssyncset.done $0x0  }
0x4c: {  	[sflag:s31] =	ssyncadd.s32 $0xFFFFE700  }
0x4d: {  	_ =	swait.ge [sflag:s31], $0x1900  }
0x4e: {  	[sflag:s31] =	ssyncset.done $0x0  }
0x4f: {  	[sflag:s31] =	ssyncadd.s32 $0xFFFFE700  }
0x50: {  	[hbm4b:s5+s3] =	stream.linear.scatter [tilespmem:s11], [sflag:$0x3], $0x1900, $0x38;
	[tilespmem:$0x1DC00] =	vst v63  }
0x51: {  	s26 =	sadd.s32 $0x380, s5  }
0x52: {  	[hbm4b:s26+s3] =	stream.linear.scatter [tilespmem:s13], [sflag:$0x3], $0x1900, $0x38;
	[tilespmem:$0x1DC00] =	vst v63  }
0x53: {  	s7 =	sadd.s32 $0x700, s5  }
0x54: {  	[hbm4b:s7+s3] =	stream.linear.scatter [tilespmem:s15], [sflag:$0x3], $0x1900, $0x38;
	[tilespmem:$0x1DC00] =	vst v63  }
0x55: {  	s9 =	sadd.s32 $0xA80, s5  }
0x56: {  	[hbm4b:s9+s3] =	stream.linear.scatter [tilespmem:s17], [sflag:$0x3], $0x1900, $0x38;
	[tilespmem:$0x1DC00] =	vst v63  }
0x57: {  	s26 =	sadd.s32 $0xE00, s5  }
0x58: {  	[hbm4b:s26+s3] =	stream.linear.scatter [tilespmem:s19], [sflag:$0x3], $0x1900, $0x38;
	[tilespmem:$0x1DC00] =	vst v63  }
0x59: {  	s7 =	sadd.s32 $0x1180, s5  }
0x5a: {  	[hbm4b:s7+s3] =	stream.linear.scatter [tilespmem:s21], [sflag:$0x3], $0x1900, $0x38;
	[tilespmem:$0x1DC00] =	vst v63  }
0x5b: {  	s9 =	sadd.s32 $0x1500, s5  }
0x5c: {  	[hbm4b:s9+s3] =	stream.linear.scatter [tilespmem:s23], [sflag:$0x3], $0x1900, $0x38;
	[tilespmem:$0x1DC00] =	vst v63  }
0x5d: {  	s26 =	sadd.s32 $0x1880, s5  }
0x5e: {  	[hbm4b:s26+s3] =	stream.linear.scatter [tilespmem:s25], [sflag:$0x3], $0x1900, $0x38;
	[tilespmem:$0x1DC00] =	vst v63  }
0x5f: {  	_ =	swait.ge [sflag:s0], $0xC800  }
0x60: {  	[sflag:s0] =	ssyncset.done $0x0  }
0x61: {  	s7 =	simm.s32 $0x380;
	[sflag:s0] =	ssyncadd.s32 $0xFFFF3800  }
0x62: {  	[tilespmem:s11], [sflag:$0x1] =	stream.indirect.gather [hbm4b:s1+s10], $0x80, s7, s10, $0xb8;
	[tilespmem:$0x1DC00] =	vst v63  }
0x63: {  	s9 =	simm.s32 $0x3B8  }
0x64: {  	[tilespmem:s13], [sflag:$0x1] =	stream.indirect.gather [hbm4b:s1+s10], $0x80, s9, s10, $0xb8;
	[tilespmem:$0x1DC00] =	vst v63  }
0x65: {  	s26 =	simm.s32 $0x3F0  }
0x66: {  	[tilespmem:s15], [sflag:$0x1] =	stream.indirect.gather [hbm4b:s1+s10], $0x80, s26, s10, $0xb8;
	[tilespmem:$0x1DC00] =	vst v63  }
0x67: {  	s7 =	simm.s32 $0x428  }
0x68: {  	[tilespmem:s17], [sflag:$0x1] =	stream.indirect.gather [hbm4b:s1+s10], $0x80, s7, s10, $0xb8;
	[tilespmem:$0x1DC00] =	vst v63  }
0x69: {  	s9 =	simm.s32 $0x460  }
0x6a: {  	[tilespmem:s19], [sflag:$0x1] =	stream.indirect.gather [hbm4b:s1+s10], $0x80, s9, s10, $0xb8;
	[tilespmem:$0x1DC00] =	vst v63  }
0x6b: {  	s26 =	simm.s32 $0x498  }
0x6c: {  	[tilespmem:s21], [sflag:$0x1] =	stream.indirect.gather [hbm4b:s1+s10], $0x80, s26, s10, $0xb8;
	[tilespmem:$0x1DC00] =	vst v63  }
0x6d: {  	s7 =	simm.s32 $0x4D0  }
0x6e: {  	[tilespmem:s23], [sflag:$0x1] =	stream.indirect.gather [hbm4b:s1+s10], $0x80, s7, s10, $0xb8;
	[tilespmem:$0x1DC00] =	vst v63  }
0x6f: {  	s9 =	simm.s32 $0x508  }
0x70: {  	[tilespmem:s25], [sflag:$0x1] =	stream.indirect.gather [hbm4b:s1+s10], $0x80, s9, s10, $0xb8;
	[tilespmem:$0x1DC00] =	vst v63  }
0x71: {  	_ =	swait.ge [sflag:s14], $0x1900  }
0x72: {  	[sflag:s14] =	ssyncset.done $0x0  }
0x73: {  	[sflag:s14] =	ssyncadd.s32 $0xFFFFE700  }
0x74: {  	_ =	swait.ge [sflag:s14], $0x1900  }
0x75: {  	[sflag:s14] =	ssyncset.done $0x0  }
0x76: {  	[sflag:s14] =	ssyncadd.s32 $0xFFFFE700  }
0x77: {  	_ =	swait.ge [sflag:s14], $0x1900  }
0x78: {  	[sflag:s14] =	ssyncset.done $0x0  }
0x79: {  	[sflag:s14] =	ssyncadd.s32 $0xFFFFE700  }
0x7a: {  	_ =	swait.ge [sflag:s14], $0x1900  }
0x7b: {  	[sflag:s14] =	ssyncset.done $0x0  }
0x7c: {  	[sflag:s14] =	ssyncadd.s32 $0xFFFFE700  }
0x7d: {  	_ =	swait.ge [sflag:s14], $0x1900  }
0x7e: {  	[sflag:s14] =	ssyncset.done $0x0  }
0x7f: {  	[sflag:s14] =	ssyncadd.s32 $0xFFFFE700  }
0x80: {  	_ =	swait.ge [sflag:s14], $0x1900  }
0x81: {  	[sflag:s14] =	ssyncset.done $0x0  }
0x82: {  	[sflag:s14] =	ssyncadd.s32 $0xFFFFE700  }
0x83: {  	_ =	swait.ge [sflag:s14], $0x1900  }
0x84: {  	[sflag:s14] =	ssyncset.done $0x0  }
0x85: {  	[sflag:s14] =	ssyncadd.s32 $0xFFFFE700  }
0x86: {  	_ =	swait.ge [sflag:s14], $0x1900  }
0x87: {  	[sflag:s14] =	ssyncset.done $0x0  }
0x88: {  	s26 =	sadd.s32 $0xFFFFE400, s8;
	[sflag:s14] =	ssyncadd.s32 $0xFFFFE700  }
0x89: {  	[hbm4b:s26+s3] =	stream.linear.scatter [tilespmem:s28], [sflag:$0x4], $0x1900, $0x38;
	[tilespmem:$0x1DC00] =	vst v63  }
0x8a: {  	s7 =	sadd.s32 $0xFFFFE780, s8  }
0x8b: {  	[hbm4b:s7+s3] =	stream.linear.scatter [tilespmem:s30], [sflag:$0x4], $0x1900, $0x38;
	[tilespmem:$0x1DC00] =	vst v63  }
0x8c: {  	s9 =	sadd.s32 $0xFFFFEB00, s8  }
0x8d: {  	[hbm4b:s9+s3] =	stream.linear.scatter [tilespmem:s2], [sflag:$0x4], $0x1900, $0x38;
	[tilespmem:$0x1DC00] =	vst v63  }
0x8e: {  	s26 =	sadd.s32 $0xFFFFEE80, s8  }
0x8f: {  	[hbm4b:s26+s3] =	stream.linear.scatter [tilespmem:s12], [sflag:$0x4], $0x1900, $0x38;
	[tilespmem:$0x1DC00] =	vst v63  }
0x90: {  	s7 =	sadd.s32 $0xFFFFF200, s8  }
0x91: {  	[hbm4b:s7+s3] =	stream.linear.scatter [tilespmem:s16], [sflag:$0x4], $0x1900, $0x38;
	[tilespmem:$0x1DC00] =	vst v63  }
0x92: {  	s9 =	sadd.s32 $0xFFFFF580, s8  }
0x93: {  	[hbm4b:s9+s3] =	stream.linear.scatter [tilespmem:s20], [sflag:$0x4], $0x1900, $0x38;
	[tilespmem:$0x1DC00] =	vst v63  }
0x94: {  	s26 =	sadd.s32 $0xFFFFF900, s8  }
0x95: {  	[hbm4b:s26+s3] =	stream.linear.scatter [tilespmem:s24], [sflag:$0x4], $0x1900, $0x38;
	[tilespmem:$0x1DC00] =	vst v63  }
0x96: {  	s7 =	sadd.s32 $0xFFFFFC80, s8  }
0x97: {  	[hbm4b:s7+s3] =	stream.linear.scatter [tilespmem:s29], [sflag:$0x4], $0x1900, $0x38;
	[tilespmem:$0x1DC00] =	vst v63  }
0x98: {  	_ =	swait.ge [sflag:s18], $0xC800  }
0x99: {  	[sflag:s18] =	ssyncset.done $0x0  }
0x9a: {  	s9 =	simm.s32 $0x540;
	[sflag:s18] =	ssyncadd.s32 $0xFFFF3800  }
0x9b: {  	[tilespmem:s28], [sflag:$0x2] =	stream.indirect.gather [hbm4b:s1+s10], $0x80, s9, s10, $0xb8;
	[tilespmem:$0x1DC00] =	vst v63  }
0x9c: {  	s26 =	simm.s32 $0x578  }
0x9d: {  	[tilespmem:s30], [sflag:$0x2] =	stream.indirect.gather [hbm4b:s1+s10], $0x80, s26, s10, $0xb8;
	[tilespmem:$0x1DC00] =	vst v63  }
0x9e: {  	s7 =	simm.s32 $0x5B0  }
0x9f: {  	[tilespmem:s2], [sflag:$0x2] =	stream.indirect.gather [hbm4b:s1+s10], $0x80, s7, s10, $0xb8;
	[tilespmem:$0x1DC00] =	vst v63  }
0xa0: {  	s9 =	simm.s32 $0x5E8  }
0xa1: {  	[tilespmem:s12], [sflag:$0x2] =	stream.indirect.gather [hbm4b:s1+s10], $0x80, s9, s10, $0xb8;
	[tilespmem:$0x1DC00] =	vst v63  }
0xa2: {  	s26 =	simm.s32 $0x620  }
0xa3: {  	[tilespmem:s16], [sflag:$0x2] =	stream.indirect.gather [hbm4b:s1+s10], $0x80, s26, s10, $0xb8;
	[tilespmem:$0x1DC00] =	vst v63  }
0xa4: {  	s7 =	simm.s32 $0x658  }
0xa5: {  	[tilespmem:s20], [sflag:$0x2] =	stream.indirect.gather [hbm4b:s1+s10], $0x80, s7, s10, $0xb8;
	[tilespmem:$0x1DC00] =	vst v63  }
0xa6: {  	s9 =	simm.s32 $0x690  }
0xa7: {  	[tilespmem:s24], [sflag:$0x2] =	stream.indirect.gather [hbm4b:s1+s10], $0x80, s9, s10, $0xb8;
	[tilespmem:$0x1DC00] =	vst v63  }
0xa8: {  	s26 =	simm.s32 $0x6C8  }
0xa9: {  	[tilespmem:s29], [sflag:$0x2] =	stream.indirect.gather [hbm4b:s1+s10], $0x80, s26, s10, $0xb8;
	[tilespmem:$0x1DC00] =	vst v63  }
0xaa: {  	_ =	swait.ge [sflag:s31], $0x1900  }
0xab: {  	[sflag:s31] =	ssyncset.done $0x0  }
0xac: {  	[sflag:s31] =	ssyncadd.s32 $0xFFFFE700  }
0xad: {  	_ =	swait.ge [sflag:s31], $0x1900  }
0xae: {  	[sflag:s31] =	ssyncset.done $0x0  }
0xaf: {  	[sflag:s31] =	ssyncadd.s32 $0xFFFFE700  }
0xb0: {  	_ =	swait.ge [sflag:s31], $0x1900  }
0xb1: {  	[sflag:s31] =	ssyncset.done $0x0  }
0xb2: {  	[sflag:s31] =	ssyncadd.s32 $0xFFFFE700  }
0xb3: {  	_ =	swait.ge [sflag:s31], $0x1900  }
0xb4: {  	[sflag:s31] =	ssyncset.done $0x0  }
0xb5: {  	[sflag:s31] =	ssyncadd.s32 $0xFFFFE700  }
0xb6: {  	_ =	swait.ge [sflag:s31], $0x1900  }
0xb7: {  	[sflag:s31] =	ssyncset.done $0x0  }
0xb8: {  	[sflag:s31] =	ssyncadd.s32 $0xFFFFE700  }
0xb9: {  	_ =	swait.ge [sflag:s31], $0x1900  }
0xba: {  	[sflag:s31] =	ssyncset.done $0x0  }
0xbb: {  	[sflag:s31] =	ssyncadd.s32 $0xFFFFE700  }
0xbc: {  	_ =	swait.ge [sflag:s31], $0x1900  }
0xbd: {  	[sflag:s31] =	ssyncset.done $0x0  }
0xbe: {  	[sflag:s31] =	ssyncadd.s32 $0xFFFFE700  }
0xbf: {  	_ =	swait.ge [sflag:s31], $0x1900  }
0xc0: {  	[sflag:s31] =	ssyncset.done $0x0  }
0xc1: {  	[sflag:s31] =	ssyncadd.s32 $0xFFFFE700  }
0xc2: {  	[hbm4b:s8+s3] =	stream.linear.scatter [tilespmem:s11], [sflag:$0x3], $0x1900, $0x38;
	[tilespmem:$0x1DC00] =	vst v63  }
0xc3: {  	s7 =	sadd.s32 $0x380, s8  }
0xc4: {  	[hbm4b:s7+s3] =	stream.linear.scatter [tilespmem:s13], [sflag:$0x3], $0x1900, $0x38;
	[tilespmem:$0x1DC00] =	vst v63  }
0xc5: {  	s9 =	sadd.s32 $0x700, s8  }
0xc6: {  	[hbm4b:s9+s3] =	stream.linear.scatter [tilespmem:s15], [sflag:$0x3], $0x1900, $0x38;
	[tilespmem:$0x1DC00] =	vst v63  }
0xc7: {  	s26 =	sadd.s32 $0xA80, s8  }
0xc8: {  	[hbm4b:s26+s3] =	stream.linear.scatter [tilespmem:s17], [sflag:$0x3], $0x1900, $0x38;
	[tilespmem:$0x1DC00] =	vst v63  }
0xc9: {  	s7 =	sadd.s32 $0xE00, s8  }
0xca: {  	[hbm4b:s7+s3] =	stream.linear.scatter [tilespmem:s19], [sflag:$0x3], $0x1900, $0x38;
	[tilespmem:$0x1DC00] =	vst v63  }
0xcb: {  	s9 =	sadd.s32 $0x1180, s8  }
0xcc: {  	[hbm4b:s9+s3] =	stream.linear.scatter [tilespmem:s21], [sflag:$0x3], $0x1900, $0x38;
	[tilespmem:$0x1DC00] =	vst v63  }
0xcd: {  	s26 =	sadd.s32 $0x1500, s8  }
0xce: {  	[hbm4b:s26+s3] =	stream.linear.scatter [tilespmem:s23], [sflag:$0x3], $0x1900, $0x38;
	[tilespmem:$0x1DC00] =	vst v63  }
0xcf: {  	s4 =	sadd.s32 $0x3800, s8;
	s7 =	sadd.s32 $0x1880, s8;
	s26 =	simm.s32 $0xE00  }
.LBB2_2:
0xd0: {  	[hbm4b:s7+s3] =	stream.linear.scatter [tilespmem:s25], [sflag:$0x3], $0x1900, $0x38;
	[tilespmem:$0x1DC00] =	vst v63  }
0xd1: {  	s7 =	smov.u32 s26  }
0xd2: {  	p0 =	sne.s32 s26, $0x5400;
	s26 =	sadd.s32 $0xE00, s26;
	_ =	swait.ge [sflag:s0], $0xC800  }
0xd3: {  	s7 =	sshra.s32 s7, $0x2;
	[sflag:s0] =	ssyncset.done $0x0  }
0xd4: {  	s9 =	sadd.s32 $0x380, s7;
	[sflag:s0] =	ssyncadd.s32 $0xFFFF3800  }
0xd5: {  	[tilespmem:s11], [sflag:$0x1] =	stream.indirect.gather [hbm4b:s1+s10], $0x80, s9, s10, $0xb8;
	[tilespmem:$0x1DC00] =	vst v63  }
0xd6: {  	s9 =	sadd.s32 $0x3B8, s7  }
0xd7: {  	[tilespmem:s13], [sflag:$0x1] =	stream.indirect.gather [hbm4b:s1+s10], $0x80, s9, s10, $0xb8;
	[tilespmem:$0x1DC00] =	vst v63  }
0xd8: {  	s9 =	sadd.s32 $0x3F0, s7  }
0xd9: {  	[tilespmem:s15], [sflag:$0x1] =	stream.indirect.gather [hbm4b:s1+s10], $0x80, s9, s10, $0xb8;
	[tilespmem:$0x1DC00] =	vst v63  }
0xda: {  	s9 =	sadd.s32 $0x428, s7  }
0xdb: {  	[tilespmem:s17], [sflag:$0x1] =	stream.indirect.gather [hbm4b:s1+s10], $0x80, s9, s10, $0xb8;
	[tilespmem:$0x1DC00] =	vst v63  }
0xdc: {  	s9 =	sadd.s32 $0x460, s7  }
0xdd: {  	[tilespmem:s19], [sflag:$0x1] =	stream.indirect.gather [hbm4b:s1+s10], $0x80, s9, s10, $0xb8;
	[tilespmem:$0x1DC00] =	vst v63  }
0xde: {  	s9 =	sadd.s32 $0x498, s7  }
0xdf: {  	[tilespmem:s21], [sflag:$0x1] =	stream.indirect.gather [hbm4b:s1+s10], $0x80, s9, s10, $0xb8;
	[tilespmem:$0x1DC00] =	vst v63  }
0xe0: {  	s9 =	sadd.s32 $0x4D0, s7  }
0xe1: {  	[tilespmem:s23], [sflag:$0x1] =	stream.indirect.gather [hbm4b:s1+s10], $0x80, s9, s10, $0xb8;
	[tilespmem:$0x1DC00] =	vst v63  }
0xe2: {  	s9 =	sadd.s32 $0x508, s7  }
0xe3: {  	[tilespmem:s25], [sflag:$0x1] =	stream.indirect.gather [hbm4b:s1+s10], $0x80, s9, s10, $0xb8;
	[tilespmem:$0x1DC00] =	vst v63  }
0xe4: {  	_ =	swait.ge [sflag:s14], $0x1900  }
0xe5: {  	[sflag:s14] =	ssyncset.done $0x0  }
0xe6: {  	[sflag:s14] =	ssyncadd.s32 $0xFFFFE700  }
0xe7: {  	_ =	swait.ge [sflag:s14], $0x1900  }
0xe8: {  	[sflag:s14] =	ssyncset.done $0x0  }
0xe9: {  	[sflag:s14] =	ssyncadd.s32 $0xFFFFE700  }
0xea: {  	_ =	swait.ge [sflag:s14], $0x1900  }
0xeb: {  	[sflag:s14] =	ssyncset.done $0x0  }
0xec: {  	[sflag:s14] =	ssyncadd.s32 $0xFFFFE700  }
0xed: {  	_ =	swait.ge [sflag:s14], $0x1900  }
0xee: {  	[sflag:s14] =	ssyncset.done $0x0  }
0xef: {  	[sflag:s14] =	ssyncadd.s32 $0xFFFFE700  }
0xf0: {  	_ =	swait.ge [sflag:s14], $0x1900  }
0xf1: {  	[sflag:s14] =	ssyncset.done $0x0  }
0xf2: {  	[sflag:s14] =	ssyncadd.s32 $0xFFFFE700  }
0xf3: {  	_ =	swait.ge [sflag:s14], $0x1900  }
0xf4: {  	[sflag:s14] =	ssyncset.done $0x0  }
0xf5: {  	[sflag:s14] =	ssyncadd.s32 $0xFFFFE700  }
0xf6: {  	_ =	swait.ge [sflag:s14], $0x1900  }
0xf7: {  	[sflag:s14] =	ssyncset.done $0x0  }
0xf8: {  	[sflag:s14] =	ssyncadd.s32 $0xFFFFE700  }
0xf9: {  	_ =	swait.ge [sflag:s14], $0x1900  }
0xfa: {  	[sflag:s14] =	ssyncset.done $0x0  }
0xfb: {  	s9 =	sadd.s32 $0xFFFFE400, s4;
	[sflag:s14] =	ssyncadd.s32 $0xFFFFE700  }
0xfc: {  	[hbm4b:s9+s3] =	stream.linear.scatter [tilespmem:s28], [sflag:$0x4], $0x1900, $0x38;
	[tilespmem:$0x1DC00] =	vst v63  }
0xfd: {  	s9 =	sadd.s32 $0xFFFFE780, s4  }
0xfe: {  	[hbm4b:s9+s3] =	stream.linear.scatter [tilespmem:s30], [sflag:$0x4], $0x1900, $0x38;
	[tilespmem:$0x1DC00] =	vst v63  }
0xff: {  	s9 =	sadd.s32 $0xFFFFEB00, s4  }
0x100: {  	[hbm4b:s9+s3] =	stream.linear.scatter [tilespmem:s2], [sflag:$0x4], $0x1900, $0x38;
	[tilespmem:$0x1DC00] =	vst v63  }
0x101: {  	s9 =	sadd.s32 $0xFFFFEE80, s4  }
0x102: {  	[hbm4b:s9+s3] =	stream.linear.scatter [tilespmem:s12], [sflag:$0x4], $0x1900, $0x38;
	[tilespmem:$0x1DC00] =	vst v63  }
0x103: {  	s9 =	sadd.s32 $0xFFFFF200, s4  }
0x104: {  	[hbm4b:s9+s3] =	stream.linear.scatter [tilespmem:s16], [sflag:$0x4], $0x1900, $0x38;
	[tilespmem:$0x1DC00] =	vst v63  }
0x105: {  	s9 =	sadd.s32 $0xFFFFF580, s4  }
0x106: {  	[hbm4b:s9+s3] =	stream.linear.scatter [tilespmem:s20], [sflag:$0x4], $0x1900, $0x38;
	[tilespmem:$0x1DC00] =	vst v63  }
0x107: {  	s9 =	sadd.s32 $0xFFFFF900, s4  }
0x108: {  	[hbm4b:s9+s3] =	stream.linear.scatter [tilespmem:s24], [sflag:$0x4], $0x1900, $0x38;
	[tilespmem:$0x1DC00] =	vst v63  }
0x109: {  	s9 =	sadd.s32 $0xFFFFFC80, s4  }
0x10a: {  	[hbm4b:s9+s3] =	stream.linear.scatter [tilespmem:s29], [sflag:$0x4], $0x1900, $0x38;
	[tilespmem:$0x1DC00] =	vst v63  }
0x10b: {  	_ =	swait.ge [sflag:s18], $0xC800  }
0x10c: {  	[sflag:s18] =	ssyncset.done $0x0  }
0x10d: {  	s9 =	sadd.s32 $0x540, s7;
	[sflag:s18] =	ssyncadd.s32 $0xFFFF3800  }
0x10e: {  	[tilespmem:s28], [sflag:$0x2] =	stream.indirect.gather [hbm4b:s1+s10], $0x80, s9, s10, $0xb8;
	[tilespmem:$0x1DC00] =	vst v63  }
0x10f: {  	s9 =	sadd.s32 $0x578, s7  }
0x110: {  	[tilespmem:s30], [sflag:$0x2] =	stream.indirect.gather [hbm4b:s1+s10], $0x80, s9, s10, $0xb8;
	[tilespmem:$0x1DC00] =	vst v63  }
0x111: {  	s9 =	sadd.s32 $0x5B0, s7  }
0x112: {  	[tilespmem:s2], [sflag:$0x2] =	stream.indirect.gather [hbm4b:s1+s10], $0x80, s9, s10, $0xb8;
	[tilespmem:$0x1DC00] =	vst v63  }
0x113: {  	s9 =	sadd.s32 $0x5E8, s7  }
0x114: {  	[tilespmem:s12], [sflag:$0x2] =	stream.indirect.gather [hbm4b:s1+s10], $0x80, s9, s10, $0xb8;
	[tilespmem:$0x1DC00] =	vst v63  }
0x115: {  	s9 =	sadd.s32 $0x620, s7  }
0x116: {  	[tilespmem:s16], [sflag:$0x2] =	stream.indirect.gather [hbm4b:s1+s10], $0x80, s9, s10, $0xb8;
	[tilespmem:$0x1DC00] =	vst v63  }
0x117: {  	s9 =	sadd.s32 $0x658, s7  }
0x118: {  	[tilespmem:s20], [sflag:$0x2] =	stream.indirect.gather [hbm4b:s1+s10], $0x80, s9, s10, $0xb8;
	[tilespmem:$0x1DC00] =	vst v63  }
0x119: {  	s9 =	sadd.s32 $0x690, s7  }
0x11a: {  	[tilespmem:s24], [sflag:$0x2] =	stream.indirect.gather [hbm4b:s1+s10], $0x80, s9, s10, $0xb8;
	[tilespmem:$0x1DC00] =	vst v63  }
0x11b: {  	s7 =	sadd.s32 $0x6C8, s7  }
0x11c: {  	[tilespmem:s29], [sflag:$0x2] =	stream.indirect.gather [hbm4b:s1+s10], $0x80, s7, s10, $0xb8;
	[tilespmem:$0x1DC00] =	vst v63  }
0x11d: {  	_ =	swait.ge [sflag:s31], $0x1900  }
0x11e: {  	[sflag:s31] =	ssyncset.done $0x0  }
0x11f: {  	[sflag:s31] =	ssyncadd.s32 $0xFFFFE700  }
0x120: {  	_ =	swait.ge [sflag:s31], $0x1900  }
0x121: {  	[sflag:s31] =	ssyncset.done $0x0  }
0x122: {  	[sflag:s31] =	ssyncadd.s32 $0xFFFFE700  }
0x123: {  	_ =	swait.ge [sflag:s31], $0x1900  }
0x124: {  	[sflag:s31] =	ssyncset.done $0x0  }
0x125: {  	[sflag:s31] =	ssyncadd.s32 $0xFFFFE700  }
0x126: {  	_ =	swait.ge [sflag:s31], $0x1900  }
0x127: {  	[sflag:s31] =	ssyncset.done $0x0  }
0x128: {  	[sflag:s31] =	ssyncadd.s32 $0xFFFFE700  }
0x129: {  	_ =	swait.ge [sflag:s31], $0x1900  }
0x12a: {  	[sflag:s31] =	ssyncset.done $0x0  }
0x12b: {  	[sflag:s31] =	ssyncadd.s32 $0xFFFFE700  }
0x12c: {  	_ =	swait.ge [sflag:s31], $0x1900  }
0x12d: {  	[sflag:s31] =	ssyncset.done $0x0  }
0x12e: {  	[sflag:s31] =	ssyncadd.s32 $0xFFFFE700  }
0x12f: {  	_ =	swait.ge [sflag:s31], $0x1900  }
0x130: {  	[sflag:s31] =	ssyncset.done $0x0  }
0x131: {  	[sflag:s31] =	ssyncadd.s32 $0xFFFFE700  }
0x132: {  	_ =	swait.ge [sflag:s31], $0x1900  }
0x133: {  	[sflag:s31] =	ssyncset.done $0x0  }
0x134: {  	[sflag:s31] =	ssyncadd.s32 $0xFFFFE700  }
0x135: {  	[hbm4b:s4+s3] =	stream.linear.scatter [tilespmem:s11], [sflag:$0x3], $0x1900, $0x38;
	[tilespmem:$0x1DC00] =	vst v63  }
0x136: {  	s7 =	sadd.s32 $0x380, s4  }
0x137: {  	[hbm4b:s7+s3] =	stream.linear.scatter [tilespmem:s13], [sflag:$0x3], $0x1900, $0x38;
	[tilespmem:$0x1DC00] =	vst v63  }
0x138: {  	s7 =	sadd.s32 $0x700, s4  }
0x139: {  	[hbm4b:s7+s3] =	stream.linear.scatter [tilespmem:s15], [sflag:$0x3], $0x1900, $0x38;
	[tilespmem:$0x1DC00] =	vst v63  }
0x13a: {  	s7 =	sadd.s32 $0xA80, s4  }
0x13b: {  	[hbm4b:s7+s3] =	stream.linear.scatter [tilespmem:s17], [sflag:$0x3], $0x1900, $0x38;
	[tilespmem:$0x1DC00] =	vst v63  }
0x13c: {  	s7 =	sadd.s32 $0xE00, s4  }
0x13d: {  	[hbm4b:s7+s3] =	stream.linear.scatter [tilespmem:s19], [sflag:$0x3], $0x1900, $0x38;
	[tilespmem:$0x1DC00] =	vst v63  }
.Ltmp0:
0x13e: {  	s7 =	sadd.s32 $0x1180, s4;
	(pc) =	sbr.rel @p0 .LBB2_2-.Ltmp0, $4  }
0x13f: {  	[hbm4b:s7+s3] =	stream.linear.scatter [tilespmem:s21], [sflag:$0x3], $0x1900, $0x38;
	[tilespmem:$0x1DC00] =	vst v63  }
0x140: {  	s7 =	sadd.s32 $0x1500, s4  }
0x141: {  	[hbm4b:s7+s3] =	stream.linear.scatter [tilespmem:s23], [sflag:$0x3], $0x1900, $0x38;
	[tilespmem:$0x1DC00] =	vst v63  }
0x142: {  	s7 =	sadd.s32 $0x1880, s4;
	s4 =	sadd.s32 $0x3800, s4  }
0x143: {  	[hbm4b:s7+s3] =	stream.linear.scatter [tilespmem:s25], [sflag:$0x3], $0x1900, $0x38;
	[tilespmem:$0x1DC00] =	vst v63  }
0x144: {  	_ =	swait.ge [sflag:s14], $0x1900  }
0x145: {  	[sflag:s14] =	ssyncset.done $0x0  }
0x146: {  	[sflag:s14] =	ssyncadd.s32 $0xFFFFE700  }
0x147: {  	_ =	swait.ge [sflag:s14], $0x1900  }
0x148: {  	[sflag:s14] =	ssyncset.done $0x0  }
0x149: {  	[sflag:s14] =	ssyncadd.s32 $0xFFFFE700  }
0x14a: {  	_ =	swait.ge [sflag:s14], $0x1900  }
0x14b: {  	[sflag:s14] =	ssyncset.done $0x0  }
0x14c: {  	[sflag:s14] =	ssyncadd.s32 $0xFFFFE700  }
0x14d: {  	_ =	swait.ge [sflag:s14], $0x1900  }
0x14e: {  	[sflag:s14] =	ssyncset.done $0x0  }
0x14f: {  	[sflag:s14] =	ssyncadd.s32 $0xFFFFE700  }
0x150: {  	_ =	swait.ge [sflag:s14], $0x1900  }
0x151: {  	[sflag:s14] =	ssyncset.done $0x0  }
0x152: {  	[sflag:s14] =	ssyncadd.s32 $0xFFFFE700  }
0x153: {  	_ =	swait.ge [sflag:s14], $0x1900  }
0x154: {  	[sflag:s14] =	ssyncset.done $0x0  }
0x155: {  	[sflag:s14] =	ssyncadd.s32 $0xFFFFE700  }
0x156: {  	_ =	swait.ge [sflag:s14], $0x1900  }
0x157: {  	[sflag:s14] =	ssyncset.done $0x0  }
0x158: {  	[sflag:s14] =	ssyncadd.s32 $0xFFFFE700  }
0x159: {  	_ =	swait.ge [sflag:s14], $0x1900  }
0x15a: {  	[sflag:s14] =	ssyncset.done $0x0  }
0x15b: {  	[sflag:s14] =	ssyncadd.s32 $0xFFFFE700  }
0x15c: {  	[hbm4b:s6+s3] =	stream.linear.scatter [tilespmem:s28], [sflag:$0x4], $0x1900, $0x38;
	[tilespmem:$0x1DC00] =	vst v63  }
0x15d: {  	s4 =	sadd.s32 $0x380, s6  }
0x15e: {  	[hbm4b:s4+s3] =	stream.linear.scatter [tilespmem:s30], [sflag:$0x4], $0x1900, $0x38;
	[tilespmem:$0x1DC00] =	vst v63  }
0x15f: {  	s26 =	sadd.s32 $0x700, s6  }
0x160: {  	[hbm4b:s26+s3] =	stream.linear.scatter [tilespmem:s2], [sflag:$0x4], $0x1900, $0x38;
	[tilespmem:$0x1DC00] =	vst v63  }
0x161: {  	s7 =	sadd.s32 $0xA80, s6  }
0x162: {  	[hbm4b:s7+s3] =	stream.linear.scatter [tilespmem:s12], [sflag:$0x4], $0x1900, $0x38;
	[tilespmem:$0x1DC00] =	vst v63  }
0x163: {  	s9 =	sadd.s32 $0xE00, s6  }
0x164: {  	[hbm4b:s9+s3] =	stream.linear.scatter [tilespmem:s16], [sflag:$0x4], $0x1900, $0x38;
	[tilespmem:$0x1DC00] =	vst v63  }
0x165: {  	s26 =	sadd.s32 $0x1180, s6  }
0x166: {  	[hbm4b:s26+s3] =	stream.linear.scatter [tilespmem:s20], [sflag:$0x4], $0x1900, $0x38;
	[tilespmem:$0x1DC00] =	vst v63  }
0x167: {  	s7 =	sadd.s32 $0x1500, s6  }
0x168: {  	[hbm4b:s7+s3] =	stream.linear.scatter [tilespmem:s24], [sflag:$0x4], $0x1900, $0x38;
	[tilespmem:$0x1DC00] =	vst v63  }
0x169: {  	s9 =	sadd.s32 $0x1880, s6  }
0x16a: {  	[hbm4b:s9+s3] =	stream.linear.scatter [tilespmem:s29], [sflag:$0x4], $0x1900, $0x38;
	[tilespmem:$0x1DC00] =	vst v63  }
0x16b: {  	_ =	swait.ge [sflag:s0], $0xC800  }
0x16c: {  	[sflag:s0] =	ssyncset.done $0x0  }
0x16d: {  	[sflag:s0] =	ssyncadd.s32 $0xFFFF3800  }
0x16e: {  	_ =	swait.ge [sflag:s18], $0xC800  }
0x16f: {  	s22 =	sadd.s32 $0x1, s22;
	s26 =	rddreg [dreg:$0x5]  }
0x170: {  	p0 =	sne.s32 s22, s26  }
.Ltmp1:
0x171: {  	_ = 	snop;
	(pc) =	sbr.rel @p0 .LBB2_1-.Ltmp1, $3  }
0x172: {  	_ =	sdelay $0x1  }
0x173: {  	[sflag:s18] =	ssyncset.done $0x0  }
0x174: {  	[sflag:s18] =	ssyncadd.s32 $0xFFFF3800  }
0x175: {  	_ =	sfence.sel $0x180000  }
0x176: {  	[bflag:$0x0] =	sbarrier.arrive $0xFFFF  }
0x177: {  	_ =	strace $0x90000047  }
0x178: {  	s0 =	stileid.u32;
	[bflag:$0x2] =	sbarrier.arrive $0xFFFF  }
0x179: {  	p0 =	sne.s32 s0, $0x0;
	s0 =	rddreg [dreg:$0x3]  }
0x17a: {  	s0 =	sadd.s32 @!p0 $0x100000, s0  }
0x17b: {  	[sflag:s0] =	ssyncadd.tile.s32 @!p0 $0x1;
	_ =	shalt  }
.Lfunc_end2:
_tile_overlayer_lowered:
.L_overlay_start_2:
0x17c: {  	(tag) =	ssettag $0x2  }
0x17d: {  	s0 =	rddreg [dreg:$0x0];
	s2 =	stileid.u32  }
0x17e: {  	s1 =	rddreg [dreg:$0x1];
	p0 =	sne.s32 s2, $0x0  }
0x17f: {  	s3 =	rddreg [dreg:$0x2];
	[bflag:$0x3] =	sbarrier.arrive $0xFFFF;
	s2 =	simm.s32 @!p0 $0x1C05  }
0x180: {  	[timem:s3], [sflag:s2] =	dma.local @!p0 [hbm:s0], s1  }
0x181: {  	s0 =	simm.s32 @!p0 $0x5  }
0x182: {  	_ =	swait.ge @!p0 [sflag:s0], s1  }
0x183: {  	s1 =	ssub.s32 @!p0 $0x0, s1;
	[sflag:s0] =	ssyncset.done @!p0 $0x0  }
0x184: {  	[sflag:s0] =	ssyncadd.s32 @!p0 s1  }
0x185: {  	[bflag:$0x3] =	sbarrier.arrive $0xFFFF  }
0x186: {  	_ =	shalt  }

</sc_bundles>
